<compile_context>
chip_gen: v7x
topology: tpu7x:2x2x1
jax: 0.10.2.dev20260603
libtpu: 0.0.44.dev20260713+nightly
codegen_flags: <defaults>
</compile_context>

<pallas_src>
import functools

import jax
import jax.numpy as jnp
from jax import lax
from jax.experimental import pallas as pl
from jax.experimental.pallas import tpu as pltpu
from jax.experimental.pallas import tpu_sc as plsc

NP_TOT = 500000
NP_PAD = 524288
NV = 65536
NT = 67584
MAX_OUT = 102124
PAD_OUT = 131072
PT_BLK = 2000
N_PT_BLK = NP_TOT // PT_BLK
PT_BLK2 = 2048
VOX_BLK = 2048
NW = 32


def _enc_mm1_body(params, feats, bidx, w1, b1, w2a, pc_out, ids_out):
    x = feats[:, 0:1]
    y = feats[:, 1:2]
    z = feats[:, 2:3]
    rho = jnp.sqrt(x * x + y * y)
    phi = jnp.arctan2(y, x)
    c0 = params[0]
    inv_r = params[1]
    c2 = params[2]
    inv_p = params[3]
    c4 = params[4]
    inv_z = params[5]
    rho_n = (rho - c0) * inv_r
    phi_n = (phi - c2) * inv_p
    z_n = (z - c4) * inv_z
    r_idx = jnp.clip(jnp.floor(rho_n * 32.0), 0.0, 31.0).astype(jnp.int32)
    p_idx = jnp.clip(jnp.floor(phi_n * 32.0), 0.0, 31.0).astype(jnp.int32)
    z_idx = jnp.clip(jnp.floor(z_n * 16.0), 0.0, 15.0).astype(jnp.int32)
    b = bidx[:]
    ids_out[:] = ((b * 32 + r_idx) * 32 + p_idx) * 16 + z_idx
    f12 = jnp.concatenate([feats[:], rho_n, phi_n, z_n], axis=1)
    acc = jnp.dot(f12, w1[:], preferred_element_type=jnp.float32)
    pf1 = jnp.maximum(acc + b1[:], 0.0)
    h = jnp.dot(pf1, w2a[:], preferred_element_type=jnp.float32)
    pc_out[:] = jnp.concatenate([pf1, h], axis=1)


def _enc_mm1(params, feats, bidx2, W1, b1, W2a):
    return pl.pallas_call(
        _enc_mm1_body,
        grid=(N_PT_BLK,),
        in_specs=[
            pl.BlockSpec(memory_space=pltpu.SMEM),
            pl.BlockSpec((PT_BLK, 9), lambda i: (i, 0)),
            pl.BlockSpec((PT_BLK, 1), lambda i: (i, 0)),
            pl.BlockSpec((12, 64), lambda i: (0, 0)),
            pl.BlockSpec((1, 64), lambda i: (0, 0)),
            pl.BlockSpec((64, 64), lambda i: (0, 0)),
        ],
        out_specs=[
            pl.BlockSpec((PT_BLK, 128), lambda i: (i, 0)),
            pl.BlockSpec((PT_BLK, 1), lambda i: (i, 0)),
        ],
        out_shape=[
            jax.ShapeDtypeStruct((NP_PAD, 128), jnp.float32),
            jax.ShapeDtypeStruct((NP_TOT, 1), jnp.int32),
        ],
    )(params, feats, bidx2, W1, b1, W2a)


def _table_body(vox12, w2b, b2, w3, b3, dense_out, occ_out):
    occ_out[:] = (vox12[:, 64:65] > -1e30).astype(jnp.int32)
    vox1 = jnp.maximum(vox12[:, 0:64], 0.0)
    hmax = vox12[:, 64:128]
    voxg = jnp.dot(vox1, w2b[:], preferred_element_type=jnp.float32) + b2[:]
    vox2 = jnp.maximum(hmax + voxg, 0.0)
    acc = jnp.dot(vox2, w3[:], preferred_element_type=jnp.float32)
    dense_out[:] = jnp.maximum(acc + b3[:], 0.0)


def _table_pipeline(vox12, W2b, b2, W3, b3):
    return pl.pallas_call(
        _table_body,
        grid=(NT // VOX_BLK,),
        in_specs=[
            pl.BlockSpec((VOX_BLK, 128), lambda i: (i, 0)),
            pl.BlockSpec((64, 64), lambda i: (0, 0)),
            pl.BlockSpec((1, 64), lambda i: (0, 0)),
            pl.BlockSpec((64, 128), lambda i: (0, 0)),
            pl.BlockSpec((1, 128), lambda i: (0, 0)),
        ],
        out_specs=[
            pl.BlockSpec((VOX_BLK, 128), lambda i: (i, 0)),
            pl.BlockSpec((VOX_BLK, 1), lambda i: (i, 0)),
        ],
        out_shape=[
            jax.ShapeDtypeStruct((NT, 128), jnp.float32),
            jax.ShapeDtypeStruct((NT, 1), jnp.int32),
        ],
    )(vox12, W2b, b2, W3, b3)


def _make_sc_gather(rows_per_w, n_win):
    assert rows_per_w == n_win * 512
    idx_rows = rows_per_w // 128
    mesh = plsc.VectorSubcoreMesh(core_axis_name="c", subcore_axis_name="s")

    @functools.partial(
        pl.kernel, mesh=mesh,
        out_type=jax.ShapeDtypeStruct((rows_per_w * NW, 128), jnp.float32),
        scratch_types=[
            pltpu.VMEM((idx_rows, 128), jnp.int32),
            pltpu.VMEM((512, 128), jnp.float32),
            pltpu.SemaphoreType.DMA,
        ],
    )
    def k(table_hbm, ids_hbm, out_hbm, idx_v, rows_v, sem):
        wid = lax.axis_index("s") * 2 + lax.axis_index("c")
        pltpu.sync_copy(ids_hbm.at[wid], idx_v)

        def body(kw, carry):
            base = wid * rows_per_w + kw * 512
            cps = []
            for j in range(4):
                cps.append(pltpu.async_copy(
                    table_hbm.at[idx_v.at[kw * 4 + j]],
                    rows_v.at[pl.ds(j * 128, 128)], sem))
            for c in cps:
                c.wait()
            pltpu.sync_copy(rows_v, out_hbm.at[pl.ds(base, 512)])
            return carry

        lax.fori_loop(0, n_win, body, 0)

    return k


_sc_gather_vox = _make_sc_gather(4096, 8)


def _mask_body(numact, voxc, occ_ids, b3, feats_out, coors_out):
    i = pl.program_id(0)
    pad = jnp.maximum(b3[:], 0.0)
    row = jax.lax.broadcasted_iota(jnp.int32, (VOX_BLK, 1), 0) + i * VOX_BLK
    mask = row < numact[0]
    feats_out[:] = jnp.where(mask, voxc[:], pad)
    uid = occ_ids[:]
    zc = jax.lax.rem(uid, 16)
    t = jax.lax.div(uid, 16)
    pc = jax.lax.rem(t, 32)
    t = jax.lax.div(t, 32)
    rc = jax.lax.rem(t, 32)
    bc = jax.lax.div(t, 32)
    coors_out[:] = jnp.concatenate([bc, rc, pc, zc], axis=1)


def _mask_final(numact, voxc, occ_ids2, b3):
    return pl.pallas_call(
        _mask_body,
        grid=(PAD_OUT // VOX_BLK,),
        in_specs=[
            pl.BlockSpec(memory_space=pltpu.SMEM),
            pl.BlockSpec((VOX_BLK, 128), lambda i: (i, 0)),
            pl.BlockSpec((VOX_BLK, 1), lambda i: (i, 0)),
            pl.BlockSpec((1, 128), lambda i: (0, 0)),
        ],
        out_specs=[
            pl.BlockSpec((VOX_BLK, 128), lambda i: (i, 0)),
            pl.BlockSpec((VOX_BLK, 4), lambda i: (i, 0)),
        ],
        out_shape=[
            jax.ShapeDtypeStruct((PAD_OUT, 128), jnp.float32),
            jax.ShapeDtypeStruct((PAD_OUT, 4), jnp.int32),
        ],
    )(numact, voxc, occ_ids2, b3)


def kernel(batch_point_feats, batch_indices, cylinder_config, in_spatial_shape,
           W1, b1, W2, b2, W3, b3):
    cfg = cylinder_config
    params = jnp.stack([
        cfg[0], 1.0 / (cfg[1] - cfg[0]),
        cfg[2], 1.0 / (cfg[3] - cfg[2]),
        cfg[4], 1.0 / (cfg[5] - cfg[4]),
    ])
    bidx2 = batch_indices.reshape(NP_TOT, 1)
    pc, ids2 = _enc_mm1(params, batch_point_feats, bidx2,
                        W1, b1.reshape(1, 64), W2[:64])
    ids = ids2.reshape(NP_TOT)
    pad_ids = NV + (jnp.arange(NP_PAD - NP_TOT, dtype=jnp.int32) % 2048)
    ids_g = jnp.concatenate([ids, pad_ids])

    vox12 = jnp.full((NT, 128), -jnp.inf, jnp.float32).at[ids_g].max(pc)
    dense_out, occ2 = _table_pipeline(vox12, W2[64:], b2.reshape(1, 64),
                                      W3, b3.reshape(1, 128))
    occ = occ2[:NV, 0]

    rank = jnp.cumsum(occ) - occ
    numact = jnp.sum(occ).astype(jnp.int32)
    occ_ids = jnp.zeros((PAD_OUT,), jnp.int32).at[
        jnp.where(occ == 1, rank, PAD_OUT)
    ].set(jnp.arange(NV, dtype=jnp.int32), mode="drop")
    arange_o = jnp.arange(PAD_OUT, dtype=jnp.int32)
    occ_ids_g = jnp.where(arange_o < numact, occ_ids, NV + (arange_o % 2048))
    voxc = _sc_gather_vox(dense_out, occ_ids_g.reshape(NW, 32, 128))

    feats_out, coors_out = _mask_final(numact.reshape(1), voxc,
                                       occ_ids.reshape(PAD_OUT, 1),
                                       b3.reshape(1, 128))
    return (feats_out[:MAX_OUT], coors_out[:MAX_OUT], numact)

# --- scband reference (transcript-rebuilt; emitter-appended) ---
"""Pipeline reference for scband-point-feature-net-9268539425516 (READ-ONLY COPY).

The authoritative reference and input builder live on the scoring server;
editing this copy changes nothing except your own understanding.
"""

import jax, jax.numpy as jnp
import numpy as np

N_POINTS = 500000
MAX_NUM_ACT_OUT = 102124
REDUCE_TYPE = 0


def setup_inputs(seed: int = 0):
    key = jax.random.key(seed)
    ks = jax.random.split(key, 8)
    xy = jax.random.uniform(ks[0], (N_POINTS, 2), minval=-50.0, maxval=50.0)
    z = jax.random.uniform(ks[1], (N_POINTS, 1), minval=-3.0, maxval=3.0)
    extra = jax.random.normal(ks[2], (N_POINTS, 6)) * 0.1
    batch_point_feats = jnp.concatenate([xy, z, extra], axis=1).astype(jnp.float32)
    batch_indices = jax.random.randint(ks[3], (N_POINTS,), 0, 4).astype(jnp.int32)
    cylinder_config = jnp.array([0.0, 71.0, -np.pi, np.pi, -3.0, 3.0], dtype=jnp.float32)
    in_spatial_shape = jnp.array([32, 32, 16], dtype=jnp.int32)
    W1 = (jax.random.normal(ks[4], (12, 64)) / np.sqrt(12.0)).astype(jnp.float32)
    b1 = jnp.zeros((64,), jnp.float32)
    W2 = (jax.random.normal(ks[5], (128, 64)) / np.sqrt(128.0)).astype(jnp.float32)
    b2 = jnp.zeros((64,), jnp.float32)
    W3 = (jax.random.normal(ks[6], (64, 128)) / np.sqrt(64.0)).astype(jnp.float32)
    b3 = jnp.zeros((128,), jnp.float32)
    return {"batch_point_feats": batch_point_feats, "batch_indices": batch_indices, "cylinder_config": cylinder_config, "in_spatial_shape": in_spatial_shape, "W1": W1, "b1": b1, "W2": W2, "b2": b2, "W3": W3, "b3": b3}


def cylinder_encoder(feats, bidx, config, spatial_shape, max_out):
    n_rho = spatial_shape[0]; n_phi = spatial_shape[1]; n_z = spatial_shape[2]
    x = feats[:, 0]; y = feats[:, 1]; z = feats[:, 2]
    rho = jnp.sqrt(x * x + y * y)
    phi = jnp.arctan2(y, x)
    rho_n = (rho - config[0]) / (config[1] - config[0])
    phi_n = (phi - config[2]) / (config[3] - config[2])
    z_n = (z - config[4]) / (config[5] - config[4])
    r_idx = jnp.clip(jnp.floor(rho_n * n_rho), 0, n_rho - 1).astype(jnp.int32)
    p_idx = jnp.clip(jnp.floor(phi_n * n_phi), 0, n_phi - 1).astype(jnp.int32)
    z_idx = jnp.clip(jnp.floor(z_n * n_z), 0, n_z - 1).astype(jnp.int32)
    voxel_id = ((bidx.astype(jnp.int32) * n_rho + r_idx) * n_phi + p_idx) * n_z + z_idx
    uniq, inv = jnp.unique(voxel_id, return_inverse=True, size=max_out, fill_value=-1)
    scatter_index = inv.reshape(-1).astype(jnp.int32)
    num_act_out = jnp.sum(uniq >= 0).astype(jnp.int32)
    scatter_count = jnp.bincount(scatter_index, length=max_out)
    uid = jnp.where(uniq >= 0, uniq, 0)
    zc = uid % n_z; t = uid // n_z
    pc = t % n_phi; t = t // n_phi
    rc = t % n_rho; bc = t // n_rho
    out_coors = jnp.stack([bc, rc, pc, zc], axis=1).astype(jnp.int32)
    pts_feats = jnp.concatenate([feats, jnp.stack([rho_n, phi_n, z_n], axis=1)], axis=1)
    return pts_feats, scatter_index, scatter_count, out_coors, num_act_out


def scatter_to(point_feats, scatter_index, scatter_count, reduce_type, num_segments):
    if reduce_type == 0:
        vf = jax.ops.segment_max(point_feats, scatter_index, num_segments=num_segments)
        vf = jnp.where((scatter_count > 0)[:, None], vf, 0.0)
    else:
        s = jax.ops.segment_sum(point_feats, scatter_index, num_segments=num_segments)
        vf = s / jnp.maximum(scatter_count, 1)[:, None].astype(point_feats.dtype)
    return vf


def gather_back(voxel_feats, scatter_index):
    return jnp.take(voxel_feats, scatter_index, axis=0)


def reference(batch_point_feats, batch_indices, cylinder_config, in_spatial_shape, W1, b1, W2, b2, W3, b3):
    pts_feats, scatter_index, scatter_count, out_coors, num_act_out = cylinder_encoder(
        batch_point_feats, batch_indices, cylinder_config, in_spatial_shape, MAX_NUM_ACT_OUT)
    # PFN layer 0
    point_feats = jax.nn.relu(pts_feats @ W1 + b1)
    voxel_feats = scatter_to(point_feats, scatter_index, scatter_count, REDUCE_TYPE, MAX_NUM_ACT_OUT)
    feat_per_point = gather_back(voxel_feats, scatter_index)
    pts_feats = jnp.concatenate([point_feats, feat_per_point], axis=1)
    # PFN layer 1 (last)
    point_feats = jax.nn.relu(pts_feats @ W2 + b2)
    voxel_feats = scatter_to(point_feats, scatter_index, scatter_count, REDUCE_TYPE, MAX_NUM_ACT_OUT)
    # post_reduce_layers
    voxel_feats = jax.nn.relu(voxel_feats @ W3 + b3)
    return (voxel_feats, out_coors, num_act_out)

if __name__ == "__main__":
    import jax
    _d = setup_inputs()
    print(jax.jit(kernel)(*tuple(_d.values())))

</pallas_src>

<mosaic_0001>
#map = affine_map<(d0, d1) -> (0, 0)>
#map1 = affine_map<(d0, d1) -> (0, 0, 0)>
module attributes {stable_mosaic.version = 14 : i64} {
  func.func @k(%arg0: i32, %arg1: i32, %arg2: memref<67584x128xf32, #tpu.memory_space<hbm>>, %arg3: memref<32x32x128xi32, #tpu.memory_space<hbm>>, %arg4: memref<131072x128xf32, #tpu.memory_space<hbm>>, %arg5: memref<32x128xi32, #tpu.memory_space<vmem>>, %arg6: memref<512x128xf32, #tpu.memory_space<vmem>>, %arg7: memref<!tpu.dma_semaphore, #tpu.memory_space<semaphore_mem>>) attributes {dimension_semantics = [#tpu.dimension_semantics<core_parallel>, #tpu.dimension_semantics<subcore_parallel>], iteration_bounds = array<i64: 2, 16>, scalar_prefetch = 0 : i64, scratch_operands = 3 : i64, tpu.core_type = #tpu.core_type<sc_vector_subcore>, window_params = [{transform_indices = #map}, {transform_indices = #map1}, {transform_indices = #map}]} {
    %mul3A = arith.constant 2 : i32
    %mul3A_0 = arith.muli %arg1, %mul3A : i32
    %add3A = arith.addi %mul3A_0, %arg0 : i32
    "tpu.region"() ({
      %run_scoped3A = tpu.sem_alloc : memref<!tpu.dma_semaphore, #tpu.memory_space<semaphore_mem>>
      %dma_start3A = arith.constant 0 : i32
      %dma_start3A_6 = arith.constant 0 : i32
      %dma_start3A_7 = tpu.memref_slice %arg3[%add3A, %dma_start3A, %dma_start3A_6] : memref<32x32x128xi32, #tpu.memory_space<hbm>> -> memref<1x32x128xi32, #tpu.memory_space<hbm>>
      %dma_start3A_8 = tpu.memref_squeeze %dma_start3A_7 : memref<1x32x128xi32, #tpu.memory_space<hbm>> -> memref<32x128xi32, #tpu.memory_space<hbm>>
      %dma_start3A_9 = arith.constant 0 : i32
      %dma_start3A_10 = arith.constant 0 : i32
      %dma_start3A_11 = tpu.memref_slice %arg3[%add3A, %dma_start3A_9, %dma_start3A_10] : memref<32x32x128xi32, #tpu.memory_space<hbm>> -> memref<1x32x128xi32, #tpu.memory_space<hbm>>
      %dma_start3A_12 = tpu.memref_squeeze %dma_start3A_11 : memref<1x32x128xi32, #tpu.memory_space<hbm>> -> memref<32x128xi32, #tpu.memory_space<hbm>>
      tpu.enqueue_dma source(%dma_start3A_12 : memref<32x128xi32, #tpu.memory_space<hbm>>) target(%arg5 : memref<32x128xi32, #tpu.memory_space<vmem>>) target_semaphore(%run_scoped3A : memref<!tpu.dma_semaphore, #tpu.memory_space<semaphore_mem>>)
      %dma_wait3A = arith.constant 0 : i32
      %dma_wait3A_13 = arith.constant 0 : i32
      %dma_wait3A_14 = tpu.memref_slice %arg3[%add3A, %dma_wait3A, %dma_wait3A_13] : memref<32x32x128xi32, #tpu.memory_space<hbm>> -> memref<1x32x128xi32, #tpu.memory_space<hbm>>
      %dma_wait3A_15 = tpu.memref_squeeze %dma_wait3A_14 : memref<1x32x128xi32, #tpu.memory_space<hbm>> -> memref<32x128xi32, #tpu.memory_space<hbm>>
      %dma_wait3A_16 = arith.constant 0 : i32
      %dma_wait3A_17 = arith.constant 0 : i32
      %dma_wait3A_18 = tpu.memref_slice %arg3[%add3A, %dma_wait3A_16, %dma_wait3A_17] : memref<32x32x128xi32, #tpu.memory_space<hbm>> -> memref<1x32x128xi32, #tpu.memory_space<hbm>>
      %dma_wait3A_19 = tpu.memref_squeeze %dma_wait3A_18 : memref<1x32x128xi32, #tpu.memory_space<hbm>> -> memref<32x128xi32, #tpu.memory_space<hbm>>
      tpu.wait_dma2 semaphore(%run_scoped3A : memref<!tpu.dma_semaphore, #tpu.memory_space<semaphore_mem>>) src(%dma_wait3A_19 : memref<32x128xi32, #tpu.memory_space<hbm>>) dst(%arg5 : memref<32x128xi32, #tpu.memory_space<vmem>>)
      tpu.yield
    }) : () -> ()
    %scan3A = arith.constant 0 : i32
    %scan3A_1 = arith.constant 0 : i32
    %scan3A_2 = arith.constant 8 : i32
    %scan3A_3 = arith.addi %scan3A_1, %scan3A_2 : i32
    %scan3A_4 = arith.constant 1 : i32
    scf.for %scan3A_6 = %scan3A_1 to %scan3A_3 step %scan3A_4  : i32 {
      %mul3A_7 = arith.constant 4096 : i32
      %mul3A_8 = arith.muli %add3A, %mul3A_7 : i32
      %mul3A_9 = arith.constant 512 : i32
      %mul3A_10 = arith.muli %scan3A_6, %mul3A_9 : i32
      %add3A_11 = arith.addi %mul3A_8, %mul3A_10 : i32
      %mul3A_12 = arith.constant 4 : i32
      %mul3A_13 = arith.muli %scan3A_6, %mul3A_12 : i32
      %add3A_14 = arith.constant 0 : i32
      %add3A_15 = arith.addi %mul3A_13, %add3A_14 : i32
      %dma_start3A = arith.constant 0 : i32
      %dma_start3A_16 = arith.constant 0 : i32
      %dma_start3A_17 = tpu.memref_slice %arg6[%dma_start3A, %dma_start3A_16] : memref<512x128xf32, #tpu.memory_space<vmem>> -> memref<128x128xf32, #tpu.memory_space<vmem>>
      %dma_start3A_18 = arith.constant 0 : i32
      %dma_start3A_19 = tpu.memref_slice %arg5[%add3A_15, %dma_start3A_18] : memref<32x128xi32, #tpu.memory_space<vmem>> -> memref<1x128xi32, #tpu.memory_space<vmem>>
      %dma_start3A_20 = tpu.memref_squeeze %dma_start3A_19 : memref<1x128xi32, #tpu.memory_space<vmem>> -> memref<128xi32, #tpu.memory_space<vmem>>
      %dma_start3A_21 = arith.constant 0 : i32
      %dma_start3A_22 = arith.constant 0 : i32
      %dma_start3A_23 = tpu.memref_slice %arg2[%dma_start3A_21, %dma_start3A_22] : memref<67584x128xf32, #tpu.memory_space<hbm>> -> memref<67584x128xf32, #tpu.memory_space<hbm>>
      tpu.enqueue_indirect_dma source(%dma_start3A_23 : memref<67584x128xf32, #tpu.memory_space<hbm>>) target(%dma_start3A_17 : memref<128x128xf32, #tpu.memory_space<vmem>>) offsets(%dma_start3A_20 : memref<128xi32, #tpu.memory_space<vmem>>) semaphore(%arg7 : memref<!tpu.dma_semaphore, #tpu.memory_space<semaphore_mem>>)
      %mul3A_24 = arith.constant 4 : i32
      %mul3A_25 = arith.muli %scan3A_6, %mul3A_24 : i32
      %add3A_26 = arith.constant 1 : i32
      %add3A_27 = arith.addi %mul3A_25, %add3A_26 : i32
      %dma_start3A_28 = arith.constant 128 : i32
      %dma_start3A_29 = arith.constant 0 : i32
      %dma_start3A_30 = tpu.memref_slice %arg6[%dma_start3A_28, %dma_start3A_29] : memref<512x128xf32, #tpu.memory_space<vmem>> -> memref<128x128xf32, #tpu.memory_space<vmem>>
      %dma_start3A_31 = arith.constant 0 : i32
      %dma_start3A_32 = tpu.memref_slice %arg5[%add3A_27, %dma_start3A_31] : memref<32x128xi32, #tpu.memory_space<vmem>> -> memref<1x128xi32, #tpu.memory_space<vmem>>
      %dma_start3A_33 = tpu.memref_squeeze %dma_start3A_32 : memref<1x128xi32, #tpu.memory_space<vmem>> -> memref<128xi32, #tpu.memory_space<vmem>>
      %dma_start3A_34 = arith.constant 0 : i32
      %dma_start3A_35 = arith.constant 0 : i32
      %dma_start3A_36 = tpu.memref_slice %arg2[%dma_start3A_34, %dma_start3A_35] : memref<67584x128xf32, #tpu.memory_space<hbm>> -> memref<67584x128xf32, #tpu.memory_space<hbm>>
      tpu.enqueue_indirect_dma source(%dma_start3A_36 : memref<67584x128xf32, #tpu.memory_space<hbm>>) target(%dma_start3A_30 : memref<128x128xf32, #tpu.memory_space<vmem>>) offsets(%dma_start3A_33 : memref<128xi32, #tpu.memory_space<vmem>>) semaphore(%arg7 : memref<!tpu.dma_semaphore, #tpu.memory_space<semaphore_mem>>)
      %mul3A_37 = arith.constant 4 : i32
      %mul3A_38 = arith.muli %scan3A_6, %mul3A_37 : i32
      %add3A_39 = arith.constant 2 : i32
      %add3A_40 = arith.addi %mul3A_38, %add3A_39 : i32
      %dma_start3A_41 = arith.constant 256 : i32
      %dma_start3A_42 = arith.constant 0 : i32
      %dma_start3A_43 = tpu.memref_slice %arg6[%dma_start3A_41, %dma_start3A_42] : memref<512x128xf32, #tpu.memory_space<vmem>> -> memref<128x128xf32, #tpu.memory_space<vmem>>
      %dma_start3A_44 = arith.constant 0 : i32
      %dma_start3A_45 = tpu.memref_slice %arg5[%add3A_40, %dma_start3A_44] : memref<32x128xi32, #tpu.memory_space<vmem>> -> memref<1x128xi32, #tpu.memory_space<vmem>>
      %dma_start3A_46 = tpu.memref_squeeze %dma_start3A_45 : memref<1x128xi32, #tpu.memory_space<vmem>> -> memref<128xi32, #tpu.memory_space<vmem>>
      %dma_start3A_47 = arith.constant 0 : i32
      %dma_start3A_48 = arith.constant 0 : i32
      %dma_start3A_49 = tpu.memref_slice %arg2[%dma_start3A_47, %dma_start3A_48] : memref<67584x128xf32, #tpu.memory_space<hbm>> -> memref<67584x128xf32, #tpu.memory_space<hbm>>
      tpu.enqueue_indirect_dma source(%dma_start3A_49 : memref<67584x128xf32, #tpu.memory_space<hbm>>) target(%dma_start3A_43 : memref<128x128xf32, #tpu.memory_space<vmem>>) offsets(%dma_start3A_46 : memref<128xi32, #tpu.memory_space<vmem>>) semaphore(%arg7 : memref<!tpu.dma_semaphore, #tpu.memory_space<semaphore_mem>>)
      %mul3A_50 = arith.constant 4 : i32
      %mul3A_51 = arith.muli %scan3A_6, %mul3A_50 : i32
      %add3A_52 = arith.constant 3 : i32
      %add3A_53 = arith.addi %mul3A_51, %add3A_52 : i32
      %dma_start3A_54 = arith.constant 384 : i32
      %dma_start3A_55 = arith.constant 0 : i32
      %dma_start3A_56 = tpu.memref_slice %arg6[%dma_start3A_54, %dma_start3A_55] : memref<512x128xf32, #tpu.memory_space<vmem>> -> memref<128x128xf32, #tpu.memory_space<vmem>>
      %dma_start3A_57 = arith.constant 0 : i32
      %dma_start3A_58 = tpu.memref_slice %arg5[%add3A_53, %dma_start3A_57] : memref<32x128xi32, #tpu.memory_space<vmem>> -> memref<1x128xi32, #tpu.memory_space<vmem>>
      %dma_start3A_59 = tpu.memref_squeeze %dma_start3A_58 : memref<1x128xi32, #tpu.memory_space<vmem>> -> memref<128xi32, #tpu.memory_space<vmem>>
      %dma_start3A_60 = arith.constant 0 : i32
      %dma_start3A_61 = arith.constant 0 : i32
      %dma_start3A_62 = tpu.memref_slice %arg2[%dma_start3A_60, %dma_start3A_61] : memref<67584x128xf32, #tpu.memory_space<hbm>> -> memref<67584x128xf32, #tpu.memory_space<hbm>>
      tpu.enqueue_indirect_dma source(%dma_start3A_62 : memref<67584x128xf32, #tpu.memory_space<hbm>>) target(%dma_start3A_56 : memref<128x128xf32, #tpu.memory_space<vmem>>) offsets(%dma_start3A_59 : memref<128xi32, #tpu.memory_space<vmem>>) semaphore(%arg7 : memref<!tpu.dma_semaphore, #tpu.memory_space<semaphore_mem>>)
      %dma_wait3A = arith.constant 0 : i32
      %dma_wait3A_63 = arith.constant 0 : i32
      %dma_wait3A_64 = tpu.memref_slice %arg6[%dma_wait3A, %dma_wait3A_63] : memref<512x128xf32, #tpu.memory_space<vmem>> -> memref<128x128xf32, #tpu.memory_space<vmem>>
      %dma_wait3A_65 = arith.constant 0 : i32
      %dma_wait3A_66 = tpu.memref_slice %arg5[%add3A_15, %dma_wait3A_65] : memref<32x128xi32, #tpu.memory_space<vmem>> -> memref<1x128xi32, #tpu.memory_space<vmem>>
      %dma_wait3A_67 = tpu.memref_squeeze %dma_wait3A_66 : memref<1x128xi32, #tpu.memory_space<vmem>> -> memref<128xi32, #tpu.memory_space<vmem>>
      %dma_wait3A_68 = arith.constant 0 : i32
      %dma_wait3A_69 = arith.constant 0 : i32
      %dma_wait3A_70 = tpu.memref_slice %arg2[%dma_wait3A_68, %dma_wait3A_69] : memref<67584x128xf32, #tpu.memory_space<hbm>> -> memref<67584x128xf32, #tpu.memory_space<hbm>>
      tpu.wait_indirect_dma semaphore(%arg7 : memref<!tpu.dma_semaphore, #tpu.memory_space<semaphore_mem>>) src(%dma_wait3A_70 : memref<67584x128xf32, #tpu.memory_space<hbm>>) dst(%dma_wait3A_64 : memref<128x128xf32, #tpu.memory_space<vmem>>)
      %dma_wait3A_71 = arith.constant 128 : i32
      %dma_wait3A_72 = arith.constant 0 : i32
      %dma_wait3A_73 = tpu.memref_slice %arg6[%dma_wait3A_71, %dma_wait3A_72] : memref<512x128xf32, #tpu.memory_space<vmem>> -> memref<128x128xf32, #tpu.memory_space<vmem>>
      %dma_wait3A_74 = arith.constant 0 : i32
      %dma_wait3A_75 = tpu.memref_slice %arg5[%add3A_27, %dma_wait3A_74] : memref<32x128xi32, #tpu.memory_space<vmem>> -> memref<1x128xi32, #tpu.memory_space<vmem>>
      %dma_wait3A_76 = tpu.memref_squeeze %dma_wait3A_75 : memref<1x128xi32, #tpu.memory_space<vmem>> -> memref<128xi32, #tpu.memory_space<vmem>>
      %dma_wait3A_77 = arith.constant 0 : i32
      %dma_wait3A_78 = arith.constant 0 : i32
      %dma_wait3A_79 = tpu.memref_slice %arg2[%dma_wait3A_77, %dma_wait3A_78] : memref<67584x128xf32, #tpu.memory_space<hbm>> -> memref<67584x128xf32, #tpu.memory_space<hbm>>
      tpu.wait_indirect_dma semaphore(%arg7 : memref<!tpu.dma_semaphore, #tpu.memory_space<semaphore_mem>>) src(%dma_wait3A_79 : memref<67584x128xf32, #tpu.memory_space<hbm>>) dst(%dma_wait3A_73 : memref<128x128xf32, #tpu.memory_space<vmem>>)
      %dma_wait3A_80 = arith.constant 256 : i32
      %dma_wait3A_81 = arith.constant 0 : i32
      %dma_wait3A_82 = tpu.memref_slice %arg6[%dma_wait3A_80, %dma_wait3A_81] : memref<512x128xf32, #tpu.memory_space<vmem>> -> memref<128x128xf32, #tpu.memory_space<vmem>>
      %dma_wait3A_83 = arith.constant 0 : i32
      %dma_wait3A_84 = tpu.memref_slice %arg5[%add3A_40, %dma_wait3A_83] : memref<32x128xi32, #tpu.memory_space<vmem>> -> memref<1x128xi32, #tpu.memory_space<vmem>>
      %dma_wait3A_85 = tpu.memref_squeeze %dma_wait3A_84 : memref<1x128xi32, #tpu.memory_space<vmem>> -> memref<128xi32, #tpu.memory_space<vmem>>
      %dma_wait3A_86 = arith.constant 0 : i32
      %dma_wait3A_87 = arith.constant 0 : i32
      %dma_wait3A_88 = tpu.memref_slice %arg2[%dma_wait3A_86, %dma_wait3A_87] : memref<67584x128xf32, #tpu.memory_space<hbm>> -> memref<67584x128xf32, #tpu.memory_space<hbm>>
      tpu.wait_indirect_dma semaphore(%arg7 : memref<!tpu.dma_semaphore, #tpu.memory_space<semaphore_mem>>) src(%dma_wait3A_88 : memref<67584x128xf32, #tpu.memory_space<hbm>>) dst(%dma_wait3A_82 : memref<128x128xf32, #tpu.memory_space<vmem>>)
      %dma_wait3A_89 = arith.constant 384 : i32
      %dma_wait3A_90 = arith.constant 0 : i32
      %dma_wait3A_91 = tpu.memref_slice %arg6[%dma_wait3A_89, %dma_wait3A_90] : memref<512x128xf32, #tpu.memory_space<vmem>> -> memref<128x128xf32, #tpu.memory_space<vmem>>
      %dma_wait3A_92 = arith.constant 0 : i32
      %dma_wait3A_93 = tpu.memref_slice %arg5[%add3A_53, %dma_wait3A_92] : memref<32x128xi32, #tpu.memory_space<vmem>> -> memref<1x128xi32, #tpu.memory_space<vmem>>
      %dma_wait3A_94 = tpu.memref_squeeze %dma_wait3A_93 : memref<1x128xi32, #tpu.memory_space<vmem>> -> memref<128xi32, #tpu.memory_space<vmem>>
      %dma_wait3A_95 = arith.constant 0 : i32
      %dma_wait3A_96 = arith.constant 0 : i32
      %dma_wait3A_97 = tpu.memref_slice %arg2[%dma_wait3A_95, %dma_wait3A_96] : memref<67584x128xf32, #tpu.memory_space<hbm>> -> memref<67584x128xf32, #tpu.memory_space<hbm>>
      tpu.wait_indirect_dma semaphore(%arg7 : memref<!tpu.dma_semaphore, #tpu.memory_space<semaphore_mem>>) src(%dma_wait3A_97 : memref<67584x128xf32, #tpu.memory_space<hbm>>) dst(%dma_wait3A_91 : memref<128x128xf32, #tpu.memory_space<vmem>>)
      "tpu.region"() ({
        %run_scoped3A = tpu.sem_alloc : memref<!tpu.dma_semaphore, #tpu.memory_space<semaphore_mem>>
        %dma_start3A_98 = arith.constant 0 : i32
        %dma_start3A_99 = tpu.memref_slice %arg4[%add3A_11, %dma_start3A_98] : memref<131072x128xf32, #tpu.memory_space<hbm>> -> memref<512x128xf32, #tpu.memory_space<hbm>>
        %dma_start3A_100 = arith.constant 0 : i32
        %dma_start3A_101 = tpu.memref_slice %arg4[%add3A_11, %dma_start3A_100] : memref<131072x128xf32, #tpu.memory_space<hbm>> -> memref<512x128xf32, #tpu.memory_space<hbm>>
        tpu.enqueue_dma source(%arg6 : memref<512x128xf32, #tpu.memory_space<vmem>>) target(%dma_start3A_101 : memref<512x128xf32, #tpu.memory_space<hbm>>) target_semaphore(%run_scoped3A : memref<!tpu.dma_semaphore, #tpu.memory_space<semaphore_mem>>)
        %dma_wait3A_102 = arith.constant 0 : i32
        %dma_wait3A_103 = tpu.memref_slice %arg4[%add3A_11, %dma_wait3A_102] : memref<131072x128xf32, #tpu.memory_space<hbm>> -> memref<512x128xf32, #tpu.memory_space<hbm>>
        %dma_wait3A_104 = arith.constant 0 : i32
        %dma_wait3A_105 = tpu.memref_slice %arg4[%add3A_11, %dma_wait3A_104] : memref<131072x128xf32, #tpu.memory_space<hbm>> -> memref<512x128xf32, #tpu.memory_space<hbm>>
        tpu.wait_dma2 semaphore(%run_scoped3A : memref<!tpu.dma_semaphore, #tpu.memory_space<semaphore_mem>>) src(%arg6 : memref<512x128xf32, #tpu.memory_space<vmem>>) dst(%dma_wait3A_105 : memref<512x128xf32, #tpu.memory_space<hbm>>)
        tpu.yield
      }) : () -> ()
    }
    %scan3A_5 = arith.constant 8 : i32
    return
  }
}

module attributes {stable_mosaic.version = 14 : i64} {
  func.func @_enc_mm1_body(%arg0: i32, %arg1: memref<6xf32, #tpu.memory_space<smem>>, %arg2: memref<2000x9xf32, #tpu.memory_space<vmem>>, %arg3: memref<2000x1xi32, #tpu.memory_space<vmem>>, %arg4: memref<12x64xf32, #tpu.memory_space<vmem>>, %arg5: memref<1x64xf32, #tpu.memory_space<vmem>>, %arg6: memref<64x64xf32, #tpu.memory_space<vmem>>, %arg7: memref<2000x128xf32, #tpu.memory_space<vmem>>, %arg8: memref<2000x1xi32, #tpu.memory_space<vmem>>) attributes {dimension_semantics = [#tpu.dimension_semantics<arbitrary>], iteration_bounds = array<i64: 250>, scalar_prefetch = 0 : i64, scratch_operands = 0 : i64, tpu.core_type = #tpu.core_type<tc>, window_params = [{transform_indices = @transform_0, window_bounds = array<i64: 6>}, {transform_indices = @transform_1, window_bounds = array<i64: 2000, 9>}, {transform_indices = @transform_2, window_bounds = array<i64: 2000, 1>}, {pipeline_mode = #tpu.pipeline_mode<synchronous>, transform_indices = @transform_3, window_bounds = array<i64: 12, 64>}, {pipeline_mode = #tpu.pipeline_mode<synchronous>, transform_indices = @transform_4, window_bounds = array<i64: 1, 64>}, {pipeline_mode = #tpu.pipeline_mode<synchronous>, transform_indices = @transform_5, window_bounds = array<i64: 64, 64>}, {transform_indices = @transform_6, window_bounds = array<i64: 2000, 128>}, {transform_indices = @transform_7, window_bounds = array<i64: 2000, 1>}]} {
    %get3A = arith.constant 0 : index
    %get3A_0 = arith.constant 0 : index
    %get3A_1 = vector.load %arg2[%get3A, %get3A_0] : memref<2000x9xf32, #tpu.memory_space<vmem>>, vector<2000x1xf32>
    %get3A_2 = arith.constant 0 : index
    %get3A_3 = arith.constant 1 : index
    %get3A_4 = vector.load %arg2[%get3A_2, %get3A_3] : memref<2000x9xf32, #tpu.memory_space<vmem>>, vector<2000x1xf32>
    %get3A_5 = arith.constant 0 : index
    %get3A_6 = arith.constant 2 : index
    %get3A_7 = vector.load %arg2[%get3A_5, %get3A_6] : memref<2000x9xf32, #tpu.memory_space<vmem>>, vector<2000x1xf32>
    %mul3A = arith.mulf %get3A_1, %get3A_1 : vector<2000x1xf32>
    %mul3A_8 = arith.mulf %get3A_4, %get3A_4 : vector<2000x1xf32>
    %add3A = arith.addf %mul3A, %mul3A_8 : vector<2000x1xf32>
    %sqrt3A = math.sqrt %add3A : vector<2000x1xf32>
    %atan23A = math.atan2 %get3A_4, %get3A_1 : vector<2000x1xf32>
    %get3A_9 = arith.constant 0 : index
    %get3A_10 = memref.load %arg1[%get3A_9] : memref<6xf32, #tpu.memory_space<smem>>
    %get3A_11 = arith.constant 1 : index
    %get3A_12 = memref.load %arg1[%get3A_11] : memref<6xf32, #tpu.memory_space<smem>>
    %get3A_13 = arith.constant 2 : index
    %get3A_14 = memref.load %arg1[%get3A_13] : memref<6xf32, #tpu.memory_space<smem>>
    %get3A_15 = arith.constant 3 : index
    %get3A_16 = memref.load %arg1[%get3A_15] : memref<6xf32, #tpu.memory_space<smem>>
    %get3A_17 = arith.constant 4 : index
    %get3A_18 = memref.load %arg1[%get3A_17] : memref<6xf32, #tpu.memory_space<smem>>
    %get3A_19 = arith.constant 5 : index
    %get3A_20 = memref.load %arg1[%get3A_19] : memref<6xf32, #tpu.memory_space<smem>>
    %sub3A = vector.broadcast %get3A_10 : f32 to vector<2000x1xf32>
    %sub3A_21 = arith.subf %sqrt3A, %sub3A : vector<2000x1xf32>
    %mul3A_22 = vector.broadcast %get3A_12 : f32 to vector<2000x1xf32>
    %mul3A_23 = arith.mulf %sub3A_21, %mul3A_22 : vector<2000x1xf32>
    %sub3A_24 = vector.broadcast %get3A_14 : f32 to vector<2000x1xf32>
    %sub3A_25 = arith.subf %atan23A, %sub3A_24 : vector<2000x1xf32>
    %mul3A_26 = vector.broadcast %get3A_16 : f32 to vector<2000x1xf32>
    %mul3A_27 = arith.mulf %sub3A_25, %mul3A_26 : vector<2000x1xf32>
    %sub3A_28 = vector.broadcast %get3A_18 : f32 to vector<2000x1xf32>
    %sub3A_29 = arith.subf %get3A_7, %sub3A_28 : vector<2000x1xf32>
    %mul3A_30 = vector.broadcast %get3A_20 : f32 to vector<2000x1xf32>
    %mul3A_31 = arith.mulf %sub3A_29, %mul3A_30 : vector<2000x1xf32>
    %mul3A_32 = arith.constant 3.200000e+01 : f32
    %mul3A_33 = vector.broadcast %mul3A_32 : f32 to vector<2000x1xf32>
    %mul3A_34 = arith.mulf %mul3A_23, %mul3A_33 : vector<2000x1xf32>
    %floor3A = math.floor %mul3A_34 : vector<2000x1xf32>
    %jit3A = arith.constant 0.000000e+00 : f32
    %jit3A_35 = arith.constant 3.100000e+01 : f32
    %max3A = vector.broadcast %jit3A : f32 to vector<2000x1xf32>
    %max3A_36 = arith.maximumf %max3A, %floor3A : vector<2000x1xf32>
    %min3A = vector.broadcast %jit3A_35 : f32 to vector<2000x1xf32>
    %min3A_37 = arith.minimumf %min3A, %max3A_36 : vector<2000x1xf32>
    %convert_element_type3A = arith.fptosi %min3A_37 : vector<2000x1xf32> to vector<2000x1xi32>
    %mul3A_38 = arith.constant 3.200000e+01 : f32
    %mul3A_39 = vector.broadcast %mul3A_38 : f32 to vector<2000x1xf32>
    %mul3A_40 = arith.mulf %mul3A_27, %mul3A_39 : vector<2000x1xf32>
    %floor3A_41 = math.floor %mul3A_40 : vector<2000x1xf32>
    %jit3A_42 = arith.constant 0.000000e+00 : f32
    %jit3A_43 = arith.constant 3.100000e+01 : f32
    %max3A_44 = vector.broadcast %jit3A_42 : f32 to vector<2000x1xf32>
    %max3A_45 = arith.maximumf %max3A_44, %floor3A_41 : vector<2000x1xf32>
    %min3A_46 = vector.broadcast %jit3A_43 : f32 to vector<2000x1xf32>
    %min3A_47 = arith.minimumf %min3A_46, %max3A_45 : vector<2000x1xf32>
    %convert_element_type3A_48 = arith.fptosi %min3A_47 : vector<2000x1xf32> to vector<2000x1xi32>
    %mul3A_49 = arith.constant 1.600000e+01 : f32
    %mul3A_50 = vector.broadcast %mul3A_49 : f32 to vector<2000x1xf32>
    %mul3A_51 = arith.mulf %mul3A_31, %mul3A_50 : vector<2000x1xf32>
    %floor3A_52 = math.floor %mul3A_51 : vector<2000x1xf32>
    %jit3A_53 = arith.constant 0.000000e+00 : f32
    %jit3A_54 = arith.constant 1.500000e+01 : f32
    %max3A_55 = vector.broadcast %jit3A_53 : f32 to vector<2000x1xf32>
    %max3A_56 = arith.maximumf %max3A_55, %floor3A_52 : vector<2000x1xf32>
    %min3A_57 = vector.broadcast %jit3A_54 : f32 to vector<2000x1xf32>
    %min3A_58 = arith.minimumf %min3A_57, %max3A_56 : vector<2000x1xf32>
    %convert_element_type3A_59 = arith.fptosi %min3A_58 : vector<2000x1xf32> to vector<2000x1xi32>
    %get3A_60 = arith.constant 0 : index
    %get3A_61 = arith.constant 0 : index
    %get3A_62 = vector.load %arg3[%get3A_60, %get3A_61] : memref<2000x1xi32, #tpu.memory_space<vmem>>, vector<2000x1xi32>
    %mul3A_63 = arith.constant 32 : i32
    %mul3A_64 = vector.broadcast %mul3A_63 : i32 to vector<2000x1xi32>
    %mul3A_65 = arith.muli %get3A_62, %mul3A_64 : vector<2000x1xi32>
    %add3A_66 = arith.addi %mul3A_65, %convert_element_type3A : vector<2000x1xi32>
    %mul3A_67 = arith.constant 32 : i32
    %mul3A_68 = vector.broadcast %mul3A_67 : i32 to vector<2000x1xi32>
    %mul3A_69 = arith.muli %add3A_66, %mul3A_68 : vector<2000x1xi32>
    %add3A_70 = arith.addi %mul3A_69, %convert_element_type3A_48 : vector<2000x1xi32>
    %mul3A_71 = arith.constant 16 : i32
    %mul3A_72 = vector.broadcast %mul3A_71 : i32 to vector<2000x1xi32>
    %mul3A_73 = arith.muli %add3A_70, %mul3A_72 : vector<2000x1xi32>
    %add3A_74 = arith.addi %mul3A_73, %convert_element_type3A_59 : vector<2000x1xi32>
    %swap3A = arith.constant 0 : index
    %swap3A_75 = arith.constant 0 : index
    %swap3A_76 = vector.load %arg8[%swap3A, %swap3A_75] : memref<2000x1xi32, #tpu.memory_space<vmem>>, vector<2000x1xi32>
    tpu.vector_store %arg8[%swap3A, %swap3A_75], %add3A_74 {strides = array<i32>} : memref<2000x1xi32, #tpu.memory_space<vmem>>, vector<2000x1xi32>,
    %get3A_77 = arith.constant 0 : index
    %get3A_78 = arith.constant 0 : index
    %get3A_79 = vector.load %arg2[%get3A_77, %get3A_78] : memref<2000x9xf32, #tpu.memory_space<vmem>>, vector<2000x9xf32>
    %concatenate3A = tpu.concatenate %get3A_79, %mul3A_23, %mul3A_27, %mul3A_31 in 1 : vector<2000x9xf32>, vector<2000x1xf32>, vector<2000x1xf32>, vector<2000x1xf32> -> vector<2000x12xf32>
    %get3A_80 = arith.constant 0 : index
    %get3A_81 = arith.constant 0 : index
    %get3A_82 = vector.load %arg4[%get3A_80, %get3A_81] : memref<12x64xf32, #tpu.memory_space<vmem>>, vector<12x64xf32>
    %dot_general3A = arith.constant dense<0.000000e+00> : vector<2000x64xf32>
    %dot_general3A_83 = tpu.matmul %concatenate3A, %get3A_82, %dot_general3A {dimension_numbers = #tpu.dot_dimension_numbers<[1], [0], [0], [1], [0, 0, 1, 1], [], []>, transpose_lhs_hint = false} : vector<2000x12xf32>, vector<12x64xf32>, vector<2000x64xf32> -> vector<2000x64xf32>
    %get3A_84 = arith.constant 0 : index
    %get3A_85 = arith.constant 0 : index
    %get3A_86 = vector.load %arg5[%get3A_84, %get3A_85] : memref<1x64xf32, #tpu.memory_space<vmem>>, vector<1x64xf32>
    %add3A_87 = vector.broadcast %get3A_86 : vector<1x64xf32> to vector<2000x64xf32>
    %add3A_88 = arith.addf %dot_general3A_83, %add3A_87 : vector<2000x64xf32>
    %max3A_89 = arith.constant 0.000000e+00 : f32
    %max3A_90 = vector.broadcast %max3A_89 : f32 to vector<2000x64xf32>
    %max3A_91 = arith.maximumf %add3A_88, %max3A_90 : vector<2000x64xf32>
    %get3A_92 = arith.constant 0 : index
    %get3A_93 = arith.constant 0 : index
    %get3A_94 = vector.load %arg6[%get3A_92, %get3A_93] : memref<64x64xf32, #tpu.memory_space<vmem>>, vector<64x64xf32>
    %dot_general3A_95 = arith.constant dense<0.000000e+00> : vector<2000x64xf32>
    %dot_general3A_96 = tpu.matmul %max3A_91, %get3A_94, %dot_general3A_95 {dimension_numbers = #tpu.dot_dimension_numbers<[1], [0], [0], [1], [0, 0, 1, 1], [], []>, transpose_lhs_hint = false} : vector<2000x64xf32>, vector<64x64xf32>, vector<2000x64xf32> -> vector<2000x64xf32>
    %concatenate3A_97 = tpu.concatenate %max3A_91, %dot_general3A_96 in 1 : vector<2000x64xf32>, vector<2000x64xf32> -> vector<2000x128xf32>
    %swap3A_98 = arith.constant 0 : index
    %swap3A_99 = arith.constant 0 : index
    %swap3A_100 = vector.load %arg7[%swap3A_98, %swap3A_99] : memref<2000x128xf32, #tpu.memory_space<vmem>>, vector<2000x128xf32>
    tpu.vector_store %arg7[%swap3A_98, %swap3A_99], %concatenate3A_97 {strides = array<i32>} : memref<2000x128xf32, #tpu.memory_space<vmem>>, vector<2000x128xf32>,
    return
  }
  func.func @transform_0(%arg0: i32) -> i32 {
    %c0_i32 = arith.constant 0 : i32
    %c0_i32_0 = arith.constant 0 : i32
    return %c0_i32 : i32
  }
  func.func @transform_1(%arg0: i32) -> (i32, i32) {
    %c0_i32 = arith.constant 0 : i32
    %c0_i32_0 = arith.constant 0 : i32
    return %arg0, %c0_i32 : i32, i32
  }
  func.func @transform_2(%arg0: i32) -> (i32, i32) {
    %c0_i32 = arith.constant 0 : i32
    %c0_i32_0 = arith.constant 0 : i32
    return %arg0, %c0_i32 : i32, i32
  }
  func.func @transform_3(%arg0: i32) -> (i32, i32) {
    %c0_i32 = arith.constant 0 : i32
    %c0_i32_0 = arith.constant 0 : i32
    %c0_i32_1 = arith.constant 0 : i32
    return %c0_i32, %c0_i32_0 : i32, i32
  }
  func.func @transform_4(%arg0: i32) -> (i32, i32) {
    %c0_i32 = arith.constant 0 : i32
    %c0_i32_0 = arith.constant 0 : i32
    %c0_i32_1 = arith.constant 0 : i32
    return %c0_i32, %c0_i32_0 : i32, i32
  }
  func.func @transform_5(%arg0: i32) -> (i32, i32) {
    %c0_i32 = arith.constant 0 : i32
    %c0_i32_0 = arith.constant 0 : i32
    %c0_i32_1 = arith.constant 0 : i32
    return %c0_i32, %c0_i32_0 : i32, i32
  }
  func.func @transform_6(%arg0: i32) -> (i32, i32) {
    %c0_i32 = arith.constant 0 : i32
    %c0_i32_0 = arith.constant 0 : i32
    return %arg0, %c0_i32 : i32, i32
  }
  func.func @transform_7(%arg0: i32) -> (i32, i32) {
    %c0_i32 = arith.constant 0 : i32
    %c0_i32_0 = arith.constant 0 : i32
    return %arg0, %c0_i32 : i32, i32
  }
}

module attributes {stable_mosaic.version = 14 : i64} {
  func.func @_table_body(%arg0: i32, %arg1: memref<2048x128xf32, #tpu.memory_space<vmem>>, %arg2: memref<64x64xf32, #tpu.memory_space<vmem>>, %arg3: memref<1x64xf32, #tpu.memory_space<vmem>>, %arg4: memref<64x128xf32, #tpu.memory_space<vmem>>, %arg5: memref<1x128xf32, #tpu.memory_space<vmem>>, %arg6: memref<2048x128xf32, #tpu.memory_space<vmem>>, %arg7: memref<2048x1xi32, #tpu.memory_space<vmem>>) attributes {dimension_semantics = [#tpu.dimension_semantics<arbitrary>], iteration_bounds = array<i64: 33>, scalar_prefetch = 0 : i64, scratch_operands = 0 : i64, tpu.core_type = #tpu.core_type<tc>, window_params = [{transform_indices = @transform_0, window_bounds = array<i64: 2048, 128>}, {pipeline_mode = #tpu.pipeline_mode<synchronous>, transform_indices = @transform_1, window_bounds = array<i64: 64, 64>}, {pipeline_mode = #tpu.pipeline_mode<synchronous>, transform_indices = @transform_2, window_bounds = array<i64: 1, 64>}, {pipeline_mode = #tpu.pipeline_mode<synchronous>, transform_indices = @transform_3, window_bounds = array<i64: 64, 128>}, {pipeline_mode = #tpu.pipeline_mode<synchronous>, transform_indices = @transform_4, window_bounds = array<i64: 1, 128>}, {transform_indices = @transform_5, window_bounds = array<i64: 2048, 128>}, {transform_indices = @transform_6, window_bounds = array<i64: 2048, 1>}]} {
    %get3A = arith.constant 0 : index
    %get3A_0 = arith.constant 64 : index
    %get3A_1 = vector.load %arg1[%get3A, %get3A_0] : memref<2048x128xf32, #tpu.memory_space<vmem>>, vector<2048x1xf32>
    %gt3A = arith.constant -1.000000e+30 : f32
    %gt3A_2 = vector.broadcast %gt3A : f32 to vector<2048x1xf32>
    %gt3A_3 = arith.cmpf ogt, %get3A_1, %gt3A_2 : vector<2048x1xf32>
    %convert_element_type3A = arith.extui %gt3A_3 : vector<2048x1xi1> to vector<2048x1xi32>
    %swap3A = arith.constant 0 : index
    %swap3A_4 = arith.constant 0 : index
    %swap3A_5 = vector.load %arg7[%swap3A, %swap3A_4] : memref<2048x1xi32, #tpu.memory_space<vmem>>, vector<2048x1xi32>
    tpu.vector_store %arg7[%swap3A, %swap3A_4], %convert_element_type3A {strides = array<i32>} : memref<2048x1xi32, #tpu.memory_space<vmem>>, vector<2048x1xi32>,
    %get3A_6 = arith.constant 0 : index
    %get3A_7 = arith.constant 0 : index
    %get3A_8 = vector.load %arg1[%get3A_6, %get3A_7] : memref<2048x128xf32, #tpu.memory_space<vmem>>, vector<2048x64xf32>
    %max3A = arith.constant 0.000000e+00 : f32
    %max3A_9 = vector.broadcast %max3A : f32 to vector<2048x64xf32>
    %max3A_10 = arith.maximumf %get3A_8, %max3A_9 : vector<2048x64xf32>
    %get3A_11 = arith.constant 0 : index
    %get3A_12 = arith.constant 64 : index
    %get3A_13 = vector.load %arg1[%get3A_11, %get3A_12] : memref<2048x128xf32, #tpu.memory_space<vmem>>, vector<2048x64xf32>
    %get3A_14 = arith.constant 0 : index
    %get3A_15 = arith.constant 0 : index
    %get3A_16 = vector.load %arg2[%get3A_14, %get3A_15] : memref<64x64xf32, #tpu.memory_space<vmem>>, vector<64x64xf32>
    %dot_general3A = arith.constant dense<0.000000e+00> : vector<2048x64xf32>
    %dot_general3A_17 = tpu.matmul %max3A_10, %get3A_16, %dot_general3A {dimension_numbers = #tpu.dot_dimension_numbers<[1], [0], [0], [1], [0, 0, 1, 1], [], []>, transpose_lhs_hint = false} : vector<2048x64xf32>, vector<64x64xf32>, vector<2048x64xf32> -> vector<2048x64xf32>
    %get3A_18 = arith.constant 0 : index
    %get3A_19 = arith.constant 0 : index
    %get3A_20 = vector.load %arg3[%get3A_18, %get3A_19] : memref<1x64xf32, #tpu.memory_space<vmem>>, vector<1x64xf32>
    %add3A = vector.broadcast %get3A_20 : vector<1x64xf32> to vector<2048x64xf32>
    %add3A_21 = arith.addf %dot_general3A_17, %add3A : vector<2048x64xf32>
    %add3A_22 = arith.addf %get3A_13, %add3A_21 : vector<2048x64xf32>
    %max3A_23 = arith.constant 0.000000e+00 : f32
    %max3A_24 = vector.broadcast %max3A_23 : f32 to vector<2048x64xf32>
    %max3A_25 = arith.maximumf %add3A_22, %max3A_24 : vector<2048x64xf32>
    %get3A_26 = arith.constant 0 : index
    %get3A_27 = arith.constant 0 : index
    %get3A_28 = vector.load %arg4[%get3A_26, %get3A_27] : memref<64x128xf32, #tpu.memory_space<vmem>>, vector<64x128xf32>
    %dot_general3A_29 = arith.constant dense<0.000000e+00> : vector<2048x128xf32>
    %dot_general3A_30 = tpu.matmul %max3A_25, %get3A_28, %dot_general3A_29 {dimension_numbers = #tpu.dot_dimension_numbers<[1], [0], [0], [1], [0, 0, 1, 1], [], []>, transpose_lhs_hint = false} : vector<2048x64xf32>, vector<64x128xf32>, vector<2048x128xf32> -> vector<2048x128xf32>
    %get3A_31 = arith.constant 0 : index
    %get3A_32 = arith.constant 0 : index
    %get3A_33 = vector.load %arg5[%get3A_31, %get3A_32] : memref<1x128xf32, #tpu.memory_space<vmem>>, vector<1x128xf32>
    %add3A_34 = vector.broadcast %get3A_33 : vector<1x128xf32> to vector<2048x128xf32>
    %add3A_35 = arith.addf %dot_general3A_30, %add3A_34 : vector<2048x128xf32>
    %max3A_36 = arith.constant 0.000000e+00 : f32
    %max3A_37 = vector.broadcast %max3A_36 : f32 to vector<2048x128xf32>
    %max3A_38 = arith.maximumf %add3A_35, %max3A_37 : vector<2048x128xf32>
    %swap3A_39 = arith.constant 0 : index
    %swap3A_40 = arith.constant 0 : index
    %swap3A_41 = vector.load %arg6[%swap3A_39, %swap3A_40] : memref<2048x128xf32, #tpu.memory_space<vmem>>, vector<2048x128xf32>
    tpu.vector_store %arg6[%swap3A_39, %swap3A_40], %max3A_38 {strides = array<i32>} : memref<2048x128xf32, #tpu.memory_space<vmem>>, vector<2048x128xf32>,
    return
  }
  func.func @transform_0(%arg0: i32) -> (i32, i32) {
    %c0_i32 = arith.constant 0 : i32
    %c0_i32_0 = arith.constant 0 : i32
    return %arg0, %c0_i32 : i32, i32
  }
  func.func @transform_1(%arg0: i32) -> (i32, i32) {
    %c0_i32 = arith.constant 0 : i32
    %c0_i32_0 = arith.constant 0 : i32
    %c0_i32_1 = arith.constant 0 : i32
    return %c0_i32, %c0_i32_0 : i32, i32
  }
  func.func @transform_2(%arg0: i32) -> (i32, i32) {
    %c0_i32 = arith.constant 0 : i32
    %c0_i32_0 = arith.constant 0 : i32
    %c0_i32_1 = arith.constant 0 : i32
    return %c0_i32, %c0_i32_0 : i32, i32
  }
  func.func @transform_3(%arg0: i32) -> (i32, i32) {
    %c0_i32 = arith.constant 0 : i32
    %c0_i32_0 = arith.constant 0 : i32
    %c0_i32_1 = arith.constant 0 : i32
    return %c0_i32, %c0_i32_0 : i32, i32
  }
  func.func @transform_4(%arg0: i32) -> (i32, i32) {
    %c0_i32 = arith.constant 0 : i32
    %c0_i32_0 = arith.constant 0 : i32
    %c0_i32_1 = arith.constant 0 : i32
    return %c0_i32, %c0_i32_0 : i32, i32
  }
  func.func @transform_5(%arg0: i32) -> (i32, i32) {
    %c0_i32 = arith.constant 0 : i32
    %c0_i32_0 = arith.constant 0 : i32
    return %arg0, %c0_i32 : i32, i32
  }
  func.func @transform_6(%arg0: i32) -> (i32, i32) {
    %c0_i32 = arith.constant 0 : i32
    %c0_i32_0 = arith.constant 0 : i32
    return %arg0, %c0_i32 : i32, i32
  }
}

module attributes {stable_mosaic.version = 14 : i64} {
  func.func @_mask_body(%arg0: i32, %arg1: memref<1xi32, #tpu.memory_space<smem>>, %arg2: memref<2048x128xf32, #tpu.memory_space<vmem>>, %arg3: memref<2048x1xi32, #tpu.memory_space<vmem>>, %arg4: memref<1x128xf32, #tpu.memory_space<vmem>>, %arg5: memref<2048x128xf32, #tpu.memory_space<vmem>>, %arg6: memref<2048x4xi32, #tpu.memory_space<vmem>>) attributes {dimension_semantics = [#tpu.dimension_semantics<arbitrary>], iteration_bounds = array<i64: 64>, scalar_prefetch = 0 : i64, scratch_operands = 0 : i64, tpu.core_type = #tpu.core_type<tc>, window_params = [{transform_indices = @transform_0, window_bounds = array<i64: 1>}, {transform_indices = @transform_1, window_bounds = array<i64: 2048, 128>}, {transform_indices = @transform_2, window_bounds = array<i64: 2048, 1>}, {pipeline_mode = #tpu.pipeline_mode<synchronous>, transform_indices = @transform_3, window_bounds = array<i64: 1, 128>}, {transform_indices = @transform_4, window_bounds = array<i64: 2048, 128>}, {transform_indices = @transform_5, window_bounds = array<i64: 2048, 4>}]} {
    %get3A = arith.constant 0 : index
    %get3A_0 = arith.constant 0 : index
    %get3A_1 = vector.load %arg4[%get3A, %get3A_0] : memref<1x128xf32, #tpu.memory_space<vmem>>, vector<1x128xf32>
    %max3A = arith.constant 0.000000e+00 : f32
    %max3A_2 = vector.broadcast %max3A : f32 to vector<1x128xf32>
    %max3A_3 = arith.maximumf %get3A_1, %max3A_2 : vector<1x128xf32>
    %iota3A = tpu.iota {dimensions = array<i32: 0>} : vector<2048x1xi32>
    %mul3A = arith.constant 2048 : i32
    %mul3A_4 = arith.muli %arg0, %mul3A : i32
    %add3A = vector.broadcast %mul3A_4 : i32 to vector<2048x1xi32>
    %add3A_5 = arith.addi %iota3A, %add3A : vector<2048x1xi32>
    %get3A_6 = arith.constant 0 : index
    %get3A_7 = memref.load %arg1[%get3A_6] : memref<1xi32, #tpu.memory_space<smem>>
    %lt3A = vector.broadcast %get3A_7 : i32 to vector<2048x1xi32>
    %lt3A_8 = arith.cmpi slt, %add3A_5, %lt3A : vector<2048x1xi32>
    %get3A_9 = arith.constant 0 : index
    %get3A_10 = arith.constant 0 : index
    %get3A_11 = vector.load %arg2[%get3A_9, %get3A_10] : memref<2048x128xf32, #tpu.memory_space<vmem>>, vector<2048x128xf32>
    %broadcast_in_dim3A = vector.shape_cast %lt3A_8 : vector<2048x1xi1> to vector<2048x1xi1>
    %broadcast_in_dim3A_12 = vector.broadcast %broadcast_in_dim3A : vector<2048x1xi1> to vector<2048x128xi1>
    %broadcast_in_dim3A_13 = vector.shape_cast %max3A_3 : vector<1x128xf32> to vector<1x128xf32>
    %broadcast_in_dim3A_14 = vector.broadcast %broadcast_in_dim3A_13 : vector<1x128xf32> to vector<2048x128xf32>
    %select_n3A = arith.select %broadcast_in_dim3A_12, %get3A_11, %broadcast_in_dim3A_14 : vector<2048x128xi1>, vector<2048x128xf32>
    %swap3A = arith.constant 0 : index
    %swap3A_15 = arith.constant 0 : index
    %swap3A_16 = vector.load %arg5[%swap3A, %swap3A_15] : memref<2048x128xf32, #tpu.memory_space<vmem>>, vector<2048x128xf32>
    tpu.vector_store %arg5[%swap3A, %swap3A_15], %select_n3A {strides = array<i32>} : memref<2048x128xf32, #tpu.memory_space<vmem>>, vector<2048x128xf32>,
    %get3A_17 = arith.constant 0 : index
    %get3A_18 = arith.constant 0 : index
    %get3A_19 = vector.load %arg3[%get3A_17, %get3A_18] : memref<2048x1xi32, #tpu.memory_space<vmem>>, vector<2048x1xi32>
    %rem3A = arith.constant 16 : i32
    %rem3A_20 = vector.broadcast %rem3A : i32 to vector<2048x1xi32>
    %rem3A_21 = arith.remsi %get3A_19, %rem3A_20 : vector<2048x1xi32>
    %div3A = arith.constant 16 : i32
    %div3A_22 = vector.broadcast %div3A : i32 to vector<2048x1xi32>
    %div3A_23 = arith.divsi %get3A_19, %div3A_22 : vector<2048x1xi32>
    %rem3A_24 = arith.constant 32 : i32
    %rem3A_25 = vector.broadcast %rem3A_24 : i32 to vector<2048x1xi32>
    %rem3A_26 = arith.remsi %div3A_23, %rem3A_25 : vector<2048x1xi32>
    %div3A_27 = arith.constant 32 : i32
    %div3A_28 = vector.broadcast %div3A_27 : i32 to vector<2048x1xi32>
    %div3A_29 = arith.divsi %div3A_23, %div3A_28 : vector<2048x1xi32>
    %rem3A_30 = arith.constant 32 : i32
    %rem3A_31 = vector.broadcast %rem3A_30 : i32 to vector<2048x1xi32>
    %rem3A_32 = arith.remsi %div3A_29, %rem3A_31 : vector<2048x1xi32>
    %div3A_33 = arith.constant 32 : i32
    %div3A_34 = vector.broadcast %div3A_33 : i32 to vector<2048x1xi32>
    %div3A_35 = arith.divsi %div3A_29, %div3A_34 : vector<2048x1xi32>
    %concatenate3A = tpu.concatenate %div3A_35, %rem3A_32, %rem3A_26, %rem3A_21 in 1 : vector<2048x1xi32>, vector<2048x1xi32>, vector<2048x1xi32>, vector<2048x1xi32> -> vector<2048x4xi32>
    %swap3A_36 = arith.constant 0 : index
    %swap3A_37 = arith.constant 0 : index
    %swap3A_38 = vector.load %arg6[%swap3A_36, %swap3A_37] : memref<2048x4xi32, #tpu.memory_space<vmem>>, vector<2048x4xi32>
    tpu.vector_store %arg6[%swap3A_36, %swap3A_37], %concatenate3A {strides = array<i32>} : memref<2048x4xi32, #tpu.memory_space<vmem>>, vector<2048x4xi32>,
    return
  }
  func.func @transform_0(%arg0: i32) -> i32 {
    %c0_i32 = arith.constant 0 : i32
    %c0_i32_0 = arith.constant 0 : i32
    return %c0_i32 : i32
  }
  func.func @transform_1(%arg0: i32) -> (i32, i32) {
    %c0_i32 = arith.constant 0 : i32
    %c0_i32_0 = arith.constant 0 : i32
    return %arg0, %c0_i32 : i32, i32
  }
  func.func @transform_2(%arg0: i32) -> (i32, i32) {
    %c0_i32 = arith.constant 0 : i32
    %c0_i32_0 = arith.constant 0 : i32
    return %arg0, %c0_i32 : i32, i32
  }
  func.func @transform_3(%arg0: i32) -> (i32, i32) {
    %c0_i32 = arith.constant 0 : i32
    %c0_i32_0 = arith.constant 0 : i32
    %c0_i32_1 = arith.constant 0 : i32
    return %c0_i32, %c0_i32_0 : i32, i32
  }
  func.func @transform_4(%arg0: i32) -> (i32, i32) {
    %c0_i32 = arith.constant 0 : i32
    %c0_i32_0 = arith.constant 0 : i32
    return %arg0, %c0_i32 : i32, i32
  }
  func.func @transform_5(%arg0: i32) -> (i32, i32) {
    %c0_i32 = arith.constant 0 : i32
    %c0_i32_0 = arith.constant 0 : i32
    return %arg0, %c0_i32 : i32, i32
  }
}

</mosaic_0001>

<sc_bundles>
// kernel: kernel.6.cloned.1.call-start
scs
__scs_entry_jumppad:
0x0: {  	(pc) =	sbr.rel $0x88, $3  }
0x1: {  	(tag) =	ssettag $0x0;
	lr =	simm.s32 $0x1  }
0x2: {  	[smem:$0x3F98] =	sst lr;
	_ =	strace $0xD0000000  }
0x3: {  	_ = 	snop  }
0x4: {  	_ = 	snop  }
0x5: {  	_ = 	snop  }
0x6: {  	_ = 	snop  }
0x7: {  	_ = 	snop  }
__scs_overlays_trampoline_lowered:
0x8: {  	[smem:$0x3FA7] =	sst s0  }
0x9: {  	[smem:$0x3FA8] =	sst s1  }
0xa: {  	[smem:$0x3FA9] =	sst s2  }
0xb: {  	[smem:$0x3FAA] =	sst s3  }
0xc: {  	[smem:$0x3FAB] =	sst s4  }
0xd: {  	[smem:$0x3FAC] =	sst s5  }
0xe: {  	[smem:$0x3FAD] =	sst s6  }
0xf: {  	[smem:$0x3FAE] =	sst s7  }
0x10: {  	[smem:$0x3FAF] =	sst s8  }
0x11: {  	[smem:$0x3FB0] =	sst s9;
	s0 =	simm.s32 @!p0 $0x0  }
0x12: {  	s1 =	sld [smem:$0x3F96];
	s0 =	simm.s32 @p0 $0x1  }
0x13: {  	[smem:$0x3FB1] =	sst s0;
	s0 =	simm.s32 @!p1 $0x0  }
0x14: {  	s2 =	sld [smem:$0x3F95];
	s0 =	simm.s32 @p1 $0x1  }
0x15: {  	[smem:$0x3FB2] =	sst s0;
	s0 =	simm.s32 @!p2 $0x0  }
0x16: {  	s3 =	sld [smem:$0x3FDB];
	s0 =	simm.s32 @p2 $0x1  }
0x17: {  	s4 =	simm.s32 $0x1BF5;
	[smem:$0x3FB4] =	sst s0  }
0x18: {  	s0 =	sld [smem:$0x3F97];
	_ =	swait.ge [sflag:s4], $0x0  }
0x19: {  	s7 =	sld [smem:$0x3F98]  }
0x1a: {  	s8 =	sadd.s32 $0xFFFFE003, lr  }
0x1b: {  	s9 =	sadd.s32 $0xFFFFFEF7, lr;
	s5 =	simm.s32 $0xFFFFFFFF;
	p2 =	slt.u32 s8, $0xFFFFF086  }
0x1c: {  	p1 =	slt.u32 s9, $0xF7A;
	s5 =	simm.s32 @!p2 $0x0  }
0x1d: {  	s5 =	simm.s32 @p1 $0x1;
	p0 =	seq.s32 s7, s2  }
0x1e: {  	s7 =	smul.u32 @!p0 $0xF7A, s2;
	p2 =	seq.s32 @!p0 s5, $0x0  }
0x1f: {  	s9 =	smul.u32 $0xF7A, s1;
	s8 =	simm.s32 @!p0 $0x1BF5;
	p2 =	por !p2, p0  }
0x20: {  	[sflag:s8] =	ssyncset.s32 @!p0 $0xFFFFF086;
	s6 =	sadd.s32 @!p0 s3, s7;
	s7 =	simm.s32 @!p0 $0x108  }
0x21: {  	s3 =	sadd.s32 s3, s9;
	s6 =	sadd.s32 @!p0 $0x88, s6;
	s7 =	simm.s32 @p2 $0x1082  }
0x22: {  	[simem:s7], [sflag:s8] =	dma.local @!p0 [hbm:s6], $0xF7A  }
0x23: {  	s9 =	sor.u32 $0xD0000000, s2;
	s6 =	simm.s32 $0x108;
	_ =	swait.ge @!p0 [sflag:s8], $0x0  }
0x24: {  	s3 =	sadd.s32 $0x88, s3;
	s6 =	simm.s32 @!p1 $0x1082;
	[sflag:s4] =	ssyncset.s32 $0xFFFFF086  }
0x25: {  	[simem:s6], [sflag:s4] =	dma.local [hbm:s3], $0xF7A  }
0x26: {  	[smem:$0x3F98] =	sst s1;
	(tag) =	ssettag s2;
	_ =	strace s9  }
0x27: {  	s1 =	sld [smem:$0x3FA8]  }
0x28: {  	s2 =	sld [smem:$0x3FA9]  }
0x29: {  	s4 =	sld [smem:$0x3FAB]  }
0x2a: {  	p0 =	seq.s32 s5, $0x0;
	s5 =	sld [smem:$0x3FAC]  }
0x2b: {  	s6 =	sld [smem:$0x3FAD]  }
0x2c: {  	s7 =	sld [smem:$0x3FAE]  }
0x2d: {  	s3 =	simm.s32 $0x108;
	s8 =	sld [smem:$0x3FAF]  }
0x2e: {  	s3 =	simm.s32 @!p0 $0x1082;
	s9 =	sld [smem:$0x3FB0]  }
0x2f: {  	lr =	sadd.s32 s0, s3;
	s0 =	sld [smem:$0x3FA7]  }
0x30: {  	s3 =	sld [smem:$0x3FAA]  }
0x31: {  	[smem:$0x3FB3] =	sst s10  }
0x32: {  	s10 =	sld [smem:$0x3FB1];
	_ =	sdelay $0x3  }
0x33: {  	p0 =	seq.s32 s10, $0x1;
	s10 =	sld [smem:$0x3FB3];
	_ =	sdelay $0x3  }
0x34: {  	[smem:$0x3FB3] =	sst s10  }
0x35: {  	s10 =	sld [smem:$0x3FB2];
	_ =	sdelay $0x3  }
0x36: {  	p1 =	seq.s32 s10, $0x1;
	s10 =	sld [smem:$0x3FB3];
	_ =	sdelay $0x3  }
0x37: {  	[smem:$0x3FB3] =	sst s10  }
0x38: {  	s10 =	sld [smem:$0x3FB4]  }
0x39: {  	_ = 	snop;
	(pc) =	sbr.ind lr, $3  }
0x3a: {  	_ = 	snop  }
0x3b: {  	_ = 	snop  }
0x3c: {  	p2 =	seq.s32 s10, $0x1;
	s10 =	sld [smem:$0x3FB3]  }
0x3d: {  	_ =	shalt  }
0x3e: {  	_ =	shalt  }
0x3f: {  	_ =	shalt  }
0x40: {  	_ =	shalt  }
0x41: {  	_ =	shalt  }
0x42: {  	_ =	shalt  }
0x43: {  	_ =	shalt  }
0x44: {  	_ =	shalt  }
0x45: {  	_ =	shalt  }
0x46: {  	_ =	shalt  }
0x47: {  	_ =	shalt  }
0x48: {  	_ =	shalt  }
0x49: {  	_ =	shalt  }
0x4a: {  	_ =	shalt  }
0x4b: {  	_ =	shalt  }
0x4c: {  	_ =	shalt  }
0x4d: {  	_ =	shalt  }
0x4e: {  	_ =	shalt  }
0x4f: {  	_ =	shalt  }
0x50: {  	_ =	shalt  }
0x51: {  	_ =	shalt  }
0x52: {  	_ =	shalt  }
0x53: {  	_ =	shalt  }
0x54: {  	_ =	shalt  }
0x55: {  	_ =	shalt  }
0x56: {  	_ =	shalt  }
0x57: {  	_ =	shalt  }
0x58: {  	_ =	shalt  }
0x59: {  	_ =	shalt  }
0x5a: {  	_ =	shalt  }
0x5b: {  	_ =	shalt  }
0x5c: {  	_ =	shalt  }
0x5d: {  	_ =	shalt  }
0x5e: {  	_ =	shalt  }
0x5f: {  	_ =	shalt  }
0x60: {  	_ =	shalt  }
0x61: {  	_ =	shalt  }
0x62: {  	_ =	shalt  }
0x63: {  	_ =	shalt  }
0x64: {  	_ =	shalt  }
0x65: {  	_ =	shalt  }
0x66: {  	_ =	shalt  }
0x67: {  	_ =	shalt  }
0x68: {  	_ =	shalt  }
0x69: {  	_ =	shalt  }
0x6a: {  	_ =	shalt  }
0x6b: {  	_ =	shalt  }
0x6c: {  	_ =	shalt  }
0x6d: {  	_ =	shalt  }
0x6e: {  	_ =	shalt  }
0x6f: {  	_ =	shalt  }
0x70: {  	_ =	shalt  }
0x71: {  	_ =	shalt  }
0x72: {  	_ =	shalt  }
0x73: {  	_ =	shalt  }
0x74: {  	_ =	shalt  }
0x75: {  	_ =	shalt  }
0x76: {  	_ =	shalt  }
0x77: {  	_ =	shalt  }
0x78: {  	_ =	shalt  }
0x79: {  	_ =	shalt  }
0x7a: {  	_ =	shalt  }
0x7b: {  	_ =	shalt  }
0x7c: {  	_ =	shalt  }
0x7d: {  	_ =	shalt  }
0x7e: {  	_ =	shalt  }
0x7f: {  	_ =	shalt  }
0x80: {  	_ =	shalt  }
0x81: {  	_ =	shalt  }
0x82: {  	_ =	shalt  }
0x83: {  	_ =	shalt  }
0x84: {  	_ =	shalt  }
0x85: {  	_ =	shalt  }
0x86: {  	_ =	shalt  }
0x87: {  	_ =	shalt  }
.Lfunc_end0:
.L_simem_size_0:
called_computation.1_lowered:
.L_overlay_start_0:
0x88: {  	s2 =	sld [smem:$0x3FD9]  }
0x89: {  	s3 =	sld [smem:$0x3FFE];
	_ =	sdelay $0x1  }
0x8a: {  	s1 =	srdreg.scid  }
0x8b: {  	s0 =	sand.u32 $0x1, s1  }
0x8c: {  	s14 =	sshll.u32 s0, $0xA;
	s2 =	sadd.s32 s3, s2  }
0x8d: {  	s2 =	sadd.s32 s2, s14  }
0x8e: {  	[smem:$0x3FBF] =	sst s2  }
0x8f: {  	_ = 	snop  }
0x90: {  	s2 =	sld [smem:$0x3FD0];
	_ =	sdelay $0x2  }
0x91: {  	s15 =	simm.s32 $0xA;
	s4 =	simm.s32 $0x10  }
0x92: {  	[smem:s4], [sflag:s15] =	dma.local [hbm:s2], $0x1  }
0x93: {  	_ =	swait.eq [sflag:s15], $0x1  }
0x94: {  	[sflag:s15] =	ssyncset.done $0x0  }
0x95: {  	[sflag:s15] =	ssyncadd.s32 $0xFFFFFFFF  }
0x96: {  	s16 =	sld [smem:$0x11];
	(tm) =	ssettm $0x1  }
0x97: {  	s17 =	sld [smem:$0x3FFB];
	_ =	sdelay $0x3  }
0x98: {  	_ =	strace s17  }
0x99: {  	s3 =	sld [smem:$0x3FFC];
	_ =	sdelay $0x3  }
0x9a: {  	_ =	strace s3  }
0x9b: {  	s3 =	sld [smem:$0x3FFD];
	_ =	sdelay $0x3  }
0x9c: {  	_ =	strace s3  }
0x9d: {  	_ =	strace $0x8FFFFFFF  }
0x9e: {  	s18 =	sld [smem:$0x3FDB];
	_ =	sdelay $0x1  }
0x9f: {  	s19 =	simm.s32 $_scs_section_size  }
0xa0: {  	s5 =	simm.s32 $_size__tile_overlayer_lowered;
	s6 =	simm.s32 $_tile_overlayer_lowered  }
0xa1: {  	s22 =	simm.s32 $0x1BFF;
	s21 =	sshll.u32 s6, $0x1;
	s3 =	sadd.s32 s19, s18  }
0xa2: {  	s7 =	simm.s32 $0x0;
	s20 =	sshll.u32 s5, $0x1;
	s5 =	sadd.s32 s21, s3  }
0xa3: {  	[timem:s7], [sflag:s22] =	dma.local [hbm:s5], s20  }
0xa4: {  	_ =	swait.ge [sflag:s22], s20  }
0xa5: {  	s4 =	ssub.s32 $0x0, s20;
	[sflag:s22] =	ssyncset.done $0x0  }
0xa6: {  	[sflag:s22] =	ssyncadd.s32 s4;
	_ =	sdelay $0x1  }
0xa7: {  	s23 =	simm.s32 $0x1B8B  }
0xa8: {  	_ =	swait.ge [sflag:s23], $0x1  }
0xa9: {  	[sflag:s23] =	ssyncset.done $0x0  }
0xaa: {  	s25 =	simm.s32 $0x1B8E;
	s24 =	sld [smem:$0x3FFE];
	[sflag:s23] =	ssyncadd.s32 $0xFFFFFFFF  }
0xab: {  	s26 =	simm.s32 $execute0_lowered;
	[smem:$0x3FD2] =	sst s25  }
0xac: {  	s5 =	sshll.u32 s26, $0x1;
	_ =	strace $0x80000049;
	[dreg:$0x1] =	wrdreg $0xFFFFFFFF  }
0xad: {  	s28 =	simm.s32 $_size_execute0_lowered;
	s3 =	sadd.s32 s3, s5;
	[dreg:$0x0] =	wrdreg $0x0  }
0xae: {  	s5 =	sshll.u32 s28, $0x1;
	[dreg:$0x2] =	wrdreg s3  }
0xaf: {  	[dreg:$0x3] =	wrdreg s5  }
0xb0: {  	[dreg:$0x4] =	wrdreg $0xC0  }
0xb1: {  	_ =	task [dreg:s7], $0x5FFFF  }
0xb2: {  	[dreg:$0x1] =	wrdreg $0xFFFFFFFF  }
0xb3: {  	[dreg:$0x0] =	wrdreg $0x60  }
0xb4: {  	[dreg:$0x2] =	wrdreg s24  }
0xb5: {  	[dreg:$0x3] =	wrdreg s16  }
0xb6: {  	[dreg:$0x4] =	wrdreg $0x9  }
0xb7: {  	_ =	task.clear_ibuf [dreg:s7], $0x5FFFF;
	_ =	strace $0x90000049  }
0xb8: {  	s29 =	simm.s32 $0x9;
	_ =	strace $0x8000004B  }
0xb9: {  	_ =	swait.ge [sflag:s29], $0x1  }
0xba: {  	[sflag:s29] =	ssyncadd.s32 $0xFFFFFFFF  }
0xbb: {  	_ =	strace $0x9000004B  }
0xbc: {  	_ =	sfence  }
0xbd: {  	s30 =	sld [smem:$0x0];
	_ =	sdelay $0x2  }
0xbe: {  	s31 =	sshll.u32 s1, $0xD;
	s1 =	sshrl.u32 s1, $0x2  }
0xbf: {  	s3 =	sand.u32 $0x4000, s31;
	s1 =	sadd.s32 s1, s30  }
0xc0: {  	s0 =	sor.u32 s3, s0;
	s1 =	sshll.u32 s1, $0x11  }
0xc1: {  	s0 =	sor.u32 s1, s0  }
0xc2: {  	s0 =	sadd.s32 $0x8F2B, s0  }
0xc3: {  	[sflag:s0] =	ssyncadd.remote.s32 $0x1  }
0xc4: {  	_ =	sfence.sel $0xFFFF  }
0xc5: {  	[dreg:$0x0] =	wrdreg $0xFFFFFFFF;
	(pc) =	sbr.abs _section_cstart, $3  }
0xc6: {  	[dreg:$0x1] =	wrdreg $0xFFFFFFFF  }
0xc7: {  	_ =	task.clear_ibuf [dreg:s7], $0x2FFFF;
	_ =	strace $0x9FFFFFFF  }
0xc8: {  	(tm) =	ssettm $0x7FFFFFFF  }
0xc9: {  	_ =	shalt  }
tec
execute0_lowered:
.L_overlay_start_1:
0x0: {  	(tag) =	ssettag $0x1  }
0x1: {  	s4 =	rddreg [dreg:$0x0]  }
0x2: {  	s5 =	rddreg [dreg:$0x1]  }
0x3: {  	s0 =	rddreg [dreg:$0x2];
	s2 =	simm.s32 $0x0;
	s1 =	stileid.u32  }
0x4: {  	s6 =	srdreg.scid;
	s11 =	simm.s32 $0x9000;
	s12 =	simm.s32 $0xD000  }
0x5: {  	s13 =	simm.s32 $0x1;
	s14 =	simm.s32 $0x0;
	[smem:$0x7FF] =	sst s2  }
0x6: {  	s3 =	sadd.s32 $0x108000, s4;
	s7 =	sshll.u32 s1, $0x11;
	s6 =	sand.u32 $0x1, s6  }
0x7: {  	s9 =	sshll.u32 s1, $0xD;
	_ =	strace $0x8000004A;
	s8 =	ssub.s32 $0x2, s6  }
0x8: {  	s10 =	sshll.u32 s6, $0xC;
	s7 =	sadd.s32 s7, s4;
	s6 =	sshll.u32 s6, $0x10  }
0x9: {  	s30 =	sshrl.u32 s8, $0x1;
	s9 =	sor.u32 s10, s9;
	s6 =	sadd.s32 s6, s7  }
0xa: {  	s7 =	simm.s32 $0x2;
	s10 =	simm.s32 $0x5000;
	s8 =	ssub.s32 s8, s30  }
0xb: {  	s31 =	sshrl.u32 s9, $0x3;
	s6 =	sadd.s32 $0x210000, s6;
	s9 =	simm.s32 $0x1000  }
0xc: {  	s4 =	sadd.s32 s5, s31;
	s5 =	smax.u32 s8, $0x1;
	s8 =	simm.s32 $0x80  }
.LBB2_1:
0xd: {  	[tilespmem:s2], [sflag:$0x2] =	stream.linear.gather [hbm4b:s4+s2], $0x1000, $0x38;
	[tilespmem:$0x11000] =	vst v63  }
0xe: {  	_ =	swait.ge [sflag:s7], $0x1000  }
0xf: {  	[sflag:s7] =	ssyncset.done $0x0  }
0x10: {  	s15 =	simm.s32 $0x0;
	[sflag:s7] =	ssyncadd.s32 $0xFFFFF000  }
0x11: {  	[tilespmem:s9], [sflag:$0x1] =	stream.indirect.gather [hbm4b:s3+s8], $0x80, s15, s8, $0xb8;
	[tilespmem:$0x11000] =	vst v63  }
0x12: {  	s28 =	simm.s32 $0x80  }
0x13: {  	[tilespmem:s10], [sflag:$0x1] =	stream.indirect.gather [hbm4b:s3+s8], $0x80, s28, s8, $0xb8;
	[tilespmem:$0x11000] =	vst v63  }
0x14: {  	s29 =	simm.s32 $0x100  }
0x15: {  	[tilespmem:s11], [sflag:$0x1] =	stream.indirect.gather [hbm4b:s3+s8], $0x80, s29, s8, $0xb8;
	[tilespmem:$0x11000] =	vst v63  }
0x16: {  	s30 =	simm.s32 $0x180  }
0x17: {  	[tilespmem:s12], [sflag:$0x1] =	stream.indirect.gather [hbm4b:s3+s8], $0x80, s30, s8, $0xb8;
	[tilespmem:$0x11000] =	vst v63  }
0x18: {  	_ =	swait.ge [sflag:s13], $0x4000  }
0x19: {  	[sflag:s13] =	ssyncset.done $0x0  }
0x1a: {  	[sflag:s13] =	ssyncadd.s32 $0xFFFFC000  }
0x1b: {  	_ =	swait.ge [sflag:s13], $0x4000  }
0x1c: {  	[sflag:s13] =	ssyncset.done $0x0  }
0x1d: {  	[sflag:s13] =	ssyncadd.s32 $0xFFFFC000  }
0x1e: {  	_ =	swait.ge [sflag:s13], $0x4000  }
0x1f: {  	[sflag:s13] =	ssyncset.done $0x0  }
0x20: {  	[sflag:s13] =	ssyncadd.s32 $0xFFFFC000  }
0x21: {  	_ =	swait.ge [sflag:s13], $0x4000  }
0x22: {  	[sflag:s13] =	ssyncset.done $0x0  }
0x23: {  	s31 =	sadd.s32 $0x0, s6;
	[sflag:s13] =	ssyncadd.s32 $0xFFFFC000  }
0x24: {  	[hbm4b:s31+s2] =	stream.linear.scatter [tilespmem:s9], [sflag:$0x2], $0x10000, $0x38;
	[tilespmem:$0x11000] =	vst v63  }
0x25: {  	s17 =	simm.s32 $0x4000;
	_ =	swait.ge [sflag:s7], $0x10000  }
0x26: {  	s16 =	simm.s32 $0x380;
	s15 =	simm.s32 $0x2000;
	[sflag:s7] =	ssyncset.done $0x0  }
.LBB2_2:
0x27: {  	p0 =	sne.s32 s17, $0xE000;
	s18 =	sadd.s32 $0xFFFFFE80, s16;
	[sflag:s7] =	ssyncadd.s32 $0xFFFF0000  }
0x28: {  	[tilespmem:s9], [sflag:$0x1] =	stream.indirect.gather [hbm4b:s3+s8], $0x80, s18, s8, $0xb8;
	[tilespmem:$0x11000] =	vst v63  }
0x29: {  	s19 =	smov.u32 s17;
	s17 =	sadd.s32 $0x2000, s17;
	s18 =	sadd.s32 $0xFFFFFF00, s16  }
0x2a: {  	[tilespmem:s10], [sflag:$0x1] =	stream.indirect.gather [hbm4b:s3+s8], $0x80, s18, s8, $0xb8;
	[tilespmem:$0x11000] =	vst v63  }
0x2b: {  	s18 =	sadd.s32 $0xFFFFFF80, s16  }
0x2c: {  	[tilespmem:s11], [sflag:$0x1] =	stream.indirect.gather [hbm4b:s3+s8], $0x80, s18, s8, $0xb8;
	[tilespmem:$0x11000] =	vst v63  }
0x2d: {  	_ = 	snop  }
0x2e: {  	[tilespmem:s12], [sflag:$0x1] =	stream.indirect.gather [hbm4b:s3+s8], $0x80, s16, s8, $0xb8;
	[tilespmem:$0x11000] =	vst v63  }
0x2f: {  	_ =	swait.ge [sflag:s13], $0x4000  }
0x30: {  	[sflag:s13] =	ssyncset.done $0x0  }
0x31: {  	[sflag:s13] =	ssyncadd.s32 $0xFFFFC000  }
0x32: {  	_ =	swait.ge [sflag:s13], $0x4000  }
0x33: {  	[sflag:s13] =	ssyncset.done $0x0  }
0x34: {  	[sflag:s13] =	ssyncadd.s32 $0xFFFFC000  }
0x35: {  	_ =	swait.ge [sflag:s13], $0x4000  }
0x36: {  	[sflag:s13] =	ssyncset.done $0x0  }
0x37: {  	[sflag:s13] =	ssyncadd.s32 $0xFFFFC000  }
0x38: {  	_ =	swait.ge [sflag:s13], $0x4000  }
.Ltmp0:
0x39: {  	[sflag:s13] =	ssyncset.done $0x0;
	(pc) =	sbr.rel @p0 .LBB2_2-.Ltmp0, $4  }
0x3a: {  	s18 =	sadd.s32 s15, s6;
	s15 =	smov.u32 s19;
	[sflag:s13] =	ssyncadd.s32 $0xFFFFC000  }
0x3b: {  	[hbm4b:s18+s2] =	stream.linear.scatter [tilespmem:s9], [sflag:$0x2], $0x10000, $0x38;
	[tilespmem:$0x11000] =	vst v63  }
0x3c: {  	_ =	swait.ge [sflag:s7], $0x10000  }
0x3d: {  	s16 =	sadd.s32 $0x200, s16;
	[sflag:s7] =	ssyncset.done $0x0  }
0x3e: {  	s17 =	sadd.s32 $0xFFFFFE80, s16;
	[sflag:s7] =	ssyncadd.s32 $0xFFFF0000  }
0x3f: {  	[tilespmem:s9], [sflag:$0x1] =	stream.indirect.gather [hbm4b:s3+s8], $0x80, s17, s8, $0xb8;
	[tilespmem:$0x11000] =	vst v63  }
0x40: {  	s30 =	sadd.s32 $0xFFFFFF00, s16  }
0x41: {  	[tilespmem:s10], [sflag:$0x1] =	stream.indirect.gather [hbm4b:s3+s8], $0x80, s30, s8, $0xb8;
	[tilespmem:$0x11000] =	vst v63  }
0x42: {  	s31 =	sadd.s32 $0xFFFFFF80, s16  }
0x43: {  	[tilespmem:s11], [sflag:$0x1] =	stream.indirect.gather [hbm4b:s3+s8], $0x80, s31, s8, $0xb8;
	[tilespmem:$0x11000] =	vst v63  }
0x44: {  	_ = 	snop  }
0x45: {  	[tilespmem:s12], [sflag:$0x1] =	stream.indirect.gather [hbm4b:s3+s8], $0x80, s16, s8, $0xb8;
	[tilespmem:$0x11000] =	vst v63  }
0x46: {  	_ =	swait.ge [sflag:s13], $0x4000  }
0x47: {  	[sflag:s13] =	ssyncset.done $0x0  }
0x48: {  	[sflag:s13] =	ssyncadd.s32 $0xFFFFC000  }
0x49: {  	_ =	swait.ge [sflag:s13], $0x4000  }
0x4a: {  	[sflag:s13] =	ssyncset.done $0x0  }
0x4b: {  	[sflag:s13] =	ssyncadd.s32 $0xFFFFC000  }
0x4c: {  	_ =	swait.ge [sflag:s13], $0x4000  }
0x4d: {  	[sflag:s13] =	ssyncset.done $0x0  }
0x4e: {  	[sflag:s13] =	ssyncadd.s32 $0xFFFFC000  }
0x4f: {  	s14 =	sadd.s32 $0x1, s14;
	_ =	swait.ge [sflag:s13], $0x4000  }
0x50: {  	p0 =	sne.s32 s14, s5;
	[sflag:s13] =	ssyncset.done $0x0  }
.Ltmp1:
0x51: {  	s15 =	sadd.s32 s15, s6;
	[sflag:s13] =	ssyncadd.s32 $0xFFFFC000;
	(pc) =	sbr.rel @p0 .LBB2_1-.Ltmp1, $4  }
0x52: {  	[hbm4b:s15+s2] =	stream.linear.scatter [tilespmem:s9], [sflag:$0x2], $0x10000, $0x38;
	[tilespmem:$0x11000] =	vst v63  }
0x53: {  	_ =	swait.ge [sflag:s7], $0x10000  }
0x54: {  	[sflag:s7] =	ssyncset.done $0x0  }
0x55: {  	[sflag:s7] =	ssyncadd.s32 $0xFFFF0000  }
0x56: {  	_ =	sfence.sel $0x180000  }
0x57: {  	[bflag:$0x0] =	sbarrier.arrive $0xFFFF  }
0x58: {  	p0 =	sne.s32 s1, $0x0;
	_ =	strace $0x9000004A  }
0x59: {  	s0 =	sadd.s32 @!p0 $0x100000, s0;
	[bflag:$0x2] =	sbarrier.arrive $0xFFFF  }
0x5a: {  	[sflag:s0] =	ssyncadd.tile.s32 @!p0 $0x1;
	_ =	shalt  }
.Lfunc_end2:
_tile_overlayer_lowered:
.L_overlay_start_2:
0x5b: {  	(tag) =	ssettag $0x2  }
0x5c: {  	s0 =	rddreg [dreg:$0x0];
	s2 =	stileid.u32  }
0x5d: {  	s1 =	rddreg [dreg:$0x1];
	p0 =	sne.s32 s2, $0x0  }
0x5e: {  	s3 =	rddreg [dreg:$0x2];
	[bflag:$0x3] =	sbarrier.arrive $0xFFFF;
	s2 =	simm.s32 @!p0 $0x1C02  }
0x5f: {  	[timem:s3], [sflag:s2] =	dma.local @!p0 [hbm:s0], s1  }
0x60: {  	s0 =	simm.s32 @!p0 $0x2  }
0x61: {  	_ =	swait.ge @!p0 [sflag:s0], s1  }
0x62: {  	s1 =	ssub.s32 @!p0 $0x0, s1;
	[sflag:s0] =	ssyncset.done @!p0 $0x0  }
0x63: {  	[sflag:s0] =	ssyncadd.s32 @!p0 s1  }
0x64: {  	[bflag:$0x3] =	sbarrier.arrive $0xFFFF  }
0x65: {  	_ =	shalt  }

// kernel: scatter_offload_async_start
scs
__scs_entry_jumppad:
0x0: {  	(pc) =	sbr.rel $0x88, $3  }
0x1: {  	(tag) =	ssettag $0x0;
	lr =	simm.s32 $0x1  }
0x2: {  	[smem:$0x3F98] =	sst lr;
	_ =	strace $0xD0000000  }
0x3: {  	_ = 	snop  }
0x4: {  	_ = 	snop  }
0x5: {  	_ = 	snop  }
0x6: {  	_ = 	snop  }
0x7: {  	_ = 	snop  }
__scs_overlays_trampoline_lowered:
0x8: {  	[smem:$0x3FA7] =	sst s0  }
0x9: {  	[smem:$0x3FA8] =	sst s1  }
0xa: {  	[smem:$0x3FA9] =	sst s2  }
0xb: {  	[smem:$0x3FAA] =	sst s3  }
0xc: {  	[smem:$0x3FAB] =	sst s4  }
0xd: {  	[smem:$0x3FAC] =	sst s5  }
0xe: {  	[smem:$0x3FAD] =	sst s6  }
0xf: {  	[smem:$0x3FAE] =	sst s7  }
0x10: {  	[smem:$0x3FAF] =	sst s8  }
0x11: {  	[smem:$0x3FB0] =	sst s9;
	s0 =	simm.s32 @!p0 $0x0  }
0x12: {  	s1 =	sld [smem:$0x3F96];
	s0 =	simm.s32 @p0 $0x1  }
0x13: {  	[smem:$0x3FB1] =	sst s0;
	s0 =	simm.s32 @!p1 $0x0  }
0x14: {  	s2 =	sld [smem:$0x3F95];
	s0 =	simm.s32 @p1 $0x1  }
0x15: {  	[smem:$0x3FB2] =	sst s0;
	s0 =	simm.s32 @!p2 $0x0  }
0x16: {  	s3 =	sld [smem:$0x3FDB];
	s0 =	simm.s32 @p2 $0x1  }
0x17: {  	s4 =	simm.s32 $0x1BF5;
	[smem:$0x3FB4] =	sst s0  }
0x18: {  	s0 =	sld [smem:$0x3F97];
	_ =	swait.ge [sflag:s4], $0x0  }
0x19: {  	s7 =	sld [smem:$0x3F98]  }
0x1a: {  	s8 =	sadd.s32 $0xFFFFE003, lr  }
0x1b: {  	s9 =	sadd.s32 $0xFFFFFEF7, lr;
	s5 =	simm.s32 $0xFFFFFFFF;
	p2 =	slt.u32 s8, $0xFFFFF086  }
0x1c: {  	p1 =	slt.u32 s9, $0xF7A;
	s5 =	simm.s32 @!p2 $0x0  }
0x1d: {  	s5 =	simm.s32 @p1 $0x1;
	p0 =	seq.s32 s7, s2  }
0x1e: {  	s7 =	smul.u32 @!p0 $0xF7A, s2;
	p2 =	seq.s32 @!p0 s5, $0x0  }
0x1f: {  	s9 =	smul.u32 $0xF7A, s1;
	s8 =	simm.s32 @!p0 $0x1BF5;
	p2 =	por !p2, p0  }
0x20: {  	[sflag:s8] =	ssyncset.s32 @!p0 $0xFFFFF086;
	s6 =	sadd.s32 @!p0 s3, s7;
	s7 =	simm.s32 @!p0 $0x108  }
0x21: {  	s3 =	sadd.s32 s3, s9;
	s6 =	sadd.s32 @!p0 $0x88, s6;
	s7 =	simm.s32 @p2 $0x1082  }
0x22: {  	[simem:s7], [sflag:s8] =	dma.local @!p0 [hbm:s6], $0xF7A  }
0x23: {  	s9 =	sor.u32 $0xD0000000, s2;
	s6 =	simm.s32 $0x108;
	_ =	swait.ge @!p0 [sflag:s8], $0x0  }
0x24: {  	s3 =	sadd.s32 $0x88, s3;
	s6 =	simm.s32 @!p1 $0x1082;
	[sflag:s4] =	ssyncset.s32 $0xFFFFF086  }
0x25: {  	[simem:s6], [sflag:s4] =	dma.local [hbm:s3], $0xF7A  }
0x26: {  	[smem:$0x3F98] =	sst s1;
	(tag) =	ssettag s2;
	_ =	strace s9  }
0x27: {  	s1 =	sld [smem:$0x3FA8]  }
0x28: {  	s2 =	sld [smem:$0x3FA9]  }
0x29: {  	s4 =	sld [smem:$0x3FAB]  }
0x2a: {  	p0 =	seq.s32 s5, $0x0;
	s5 =	sld [smem:$0x3FAC]  }
0x2b: {  	s6 =	sld [smem:$0x3FAD]  }
0x2c: {  	s7 =	sld [smem:$0x3FAE]  }
0x2d: {  	s3 =	simm.s32 $0x108;
	s8 =	sld [smem:$0x3FAF]  }
0x2e: {  	s3 =	simm.s32 @!p0 $0x1082;
	s9 =	sld [smem:$0x3FB0]  }
0x2f: {  	lr =	sadd.s32 s0, s3;
	s0 =	sld [smem:$0x3FA7]  }
0x30: {  	s3 =	sld [smem:$0x3FAA]  }
0x31: {  	[smem:$0x3FB3] =	sst s10  }
0x32: {  	s10 =	sld [smem:$0x3FB1];
	_ =	sdelay $0x3  }
0x33: {  	p0 =	seq.s32 s10, $0x1;
	s10 =	sld [smem:$0x3FB3];
	_ =	sdelay $0x3  }
0x34: {  	[smem:$0x3FB3] =	sst s10  }
0x35: {  	s10 =	sld [smem:$0x3FB2];
	_ =	sdelay $0x3  }
0x36: {  	p1 =	seq.s32 s10, $0x1;
	s10 =	sld [smem:$0x3FB3];
	_ =	sdelay $0x3  }
0x37: {  	[smem:$0x3FB3] =	sst s10  }
0x38: {  	s10 =	sld [smem:$0x3FB4]  }
0x39: {  	_ = 	snop;
	(pc) =	sbr.ind lr, $3  }
0x3a: {  	_ = 	snop  }
0x3b: {  	_ = 	snop  }
0x3c: {  	p2 =	seq.s32 s10, $0x1;
	s10 =	sld [smem:$0x3FB3]  }
0x3d: {  	_ =	shalt  }
0x3e: {  	_ =	shalt  }
0x3f: {  	_ =	shalt  }
0x40: {  	_ =	shalt  }
0x41: {  	_ =	shalt  }
0x42: {  	_ =	shalt  }
0x43: {  	_ =	shalt  }
0x44: {  	_ =	shalt  }
0x45: {  	_ =	shalt  }
0x46: {  	_ =	shalt  }
0x47: {  	_ =	shalt  }
0x48: {  	_ =	shalt  }
0x49: {  	_ =	shalt  }
0x4a: {  	_ =	shalt  }
0x4b: {  	_ =	shalt  }
0x4c: {  	_ =	shalt  }
0x4d: {  	_ =	shalt  }
0x4e: {  	_ =	shalt  }
0x4f: {  	_ =	shalt  }
0x50: {  	_ =	shalt  }
0x51: {  	_ =	shalt  }
0x52: {  	_ =	shalt  }
0x53: {  	_ =	shalt  }
0x54: {  	_ =	shalt  }
0x55: {  	_ =	shalt  }
0x56: {  	_ =	shalt  }
0x57: {  	_ =	shalt  }
0x58: {  	_ =	shalt  }
0x59: {  	_ =	shalt  }
0x5a: {  	_ =	shalt  }
0x5b: {  	_ =	shalt  }
0x5c: {  	_ =	shalt  }
0x5d: {  	_ =	shalt  }
0x5e: {  	_ =	shalt  }
0x5f: {  	_ =	shalt  }
0x60: {  	_ =	shalt  }
0x61: {  	_ =	shalt  }
0x62: {  	_ =	shalt  }
0x63: {  	_ =	shalt  }
0x64: {  	_ =	shalt  }
0x65: {  	_ =	shalt  }
0x66: {  	_ =	shalt  }
0x67: {  	_ =	shalt  }
0x68: {  	_ =	shalt  }
0x69: {  	_ =	shalt  }
0x6a: {  	_ =	shalt  }
0x6b: {  	_ =	shalt  }
0x6c: {  	_ =	shalt  }
0x6d: {  	_ =	shalt  }
0x6e: {  	_ =	shalt  }
0x6f: {  	_ =	shalt  }
0x70: {  	_ =	shalt  }
0x71: {  	_ =	shalt  }
0x72: {  	_ =	shalt  }
0x73: {  	_ =	shalt  }
0x74: {  	_ =	shalt  }
0x75: {  	_ =	shalt  }
0x76: {  	_ =	shalt  }
0x77: {  	_ =	shalt  }
0x78: {  	_ =	shalt  }
0x79: {  	_ =	shalt  }
0x7a: {  	_ =	shalt  }
0x7b: {  	_ =	shalt  }
0x7c: {  	_ =	shalt  }
0x7d: {  	_ =	shalt  }
0x7e: {  	_ =	shalt  }
0x7f: {  	_ =	shalt  }
0x80: {  	_ =	shalt  }
0x81: {  	_ =	shalt  }
0x82: {  	_ =	shalt  }
0x83: {  	_ =	shalt  }
0x84: {  	_ =	shalt  }
0x85: {  	_ =	shalt  }
0x86: {  	_ =	shalt  }
0x87: {  	_ =	shalt  }
.Lfunc_end0:
.L_simem_size_0:
called_computation_lowered:
.L_overlay_start_0:
0x88: {  	s2 =	sld [smem:$0x3FD9]  }
0x89: {  	s3 =	sld [smem:$0x3FFE];
	_ =	sdelay $0x1  }
0x8a: {  	s1 =	srdreg.scid  }
0x8b: {  	s0 =	sand.u32 $0x1, s1  }
0x8c: {  	s13 =	sshll.u32 s0, $0xA;
	s2 =	sadd.s32 s3, s2  }
0x8d: {  	s2 =	sadd.s32 s2, s13  }
0x8e: {  	[smem:$0x3FBF] =	sst s2  }
0x8f: {  	_ = 	snop  }
0x90: {  	s2 =	sld [smem:$0x3FD0];
	_ =	sdelay $0x2  }
0x91: {  	s14 =	simm.s32 $0xA;
	s4 =	simm.s32 $0x10  }
0x92: {  	[smem:s4], [sflag:s14] =	dma.local [hbm:s2], $0x1  }
0x93: {  	_ =	swait.eq [sflag:s14], $0x1  }
0x94: {  	[sflag:s14] =	ssyncset.done $0x0  }
0x95: {  	[sflag:s14] =	ssyncadd.s32 $0xFFFFFFFF  }
0x96: {  	s15 =	sld [smem:$0x10];
	(tm) =	ssettm $0x1  }
0x97: {  	s16 =	sld [smem:$0x3FFB];
	_ =	sdelay $0x3  }
0x98: {  	_ =	strace s16  }
0x99: {  	s3 =	sld [smem:$0x3FFC];
	_ =	sdelay $0x3  }
0x9a: {  	_ =	strace s3  }
0x9b: {  	s3 =	sld [smem:$0x3FFD];
	_ =	sdelay $0x3  }
0x9c: {  	_ =	strace s3  }
0x9d: {  	_ =	strace $0x8FFFFFFF  }
0x9e: {  	s17 =	sld [smem:$0x3FDB];
	_ =	sdelay $0x1  }
0x9f: {  	s18 =	simm.s32 $_scs_section_size  }
0xa0: {  	s5 =	simm.s32 $_size__tile_overlayer_lowered;
	s6 =	simm.s32 $_tile_overlayer_lowered  }
0xa1: {  	s21 =	simm.s32 $0x1BFF;
	s20 =	sshll.u32 s6, $0x1;
	s3 =	sadd.s32 s18, s17  }
0xa2: {  	s7 =	simm.s32 $0x0;
	s19 =	sshll.u32 s5, $0x1;
	s5 =	sadd.s32 s20, s3  }
0xa3: {  	[timem:s7], [sflag:s21] =	dma.local [hbm:s5], s19  }
0xa4: {  	_ =	swait.ge [sflag:s21], s19  }
0xa5: {  	s4 =	ssub.s32 $0x0, s19;
	[sflag:s21] =	ssyncset.done $0x0  }
0xa6: {  	[sflag:s21] =	ssyncadd.s32 s4;
	_ =	sdelay $0x1  }
0xa7: {  	s22 =	simm.s32 $0x1B8B  }
0xa8: {  	_ =	swait.ge [sflag:s22], $0x1  }
0xa9: {  	[sflag:s22] =	ssyncset.done $0x0  }
0xaa: {  	s23 =	sld [smem:$0x3FFE];
	[sflag:s22] =	ssyncadd.s32 $0xFFFFFFFF  }
0xab: {  	s25 =	simm.s32 $0x1B8E;
	s24 =	sld [smem:$0x0]  }
0xac: {  	s26 =	simm.s32 $execute0_lowered;
	[smem:$0x3FD2] =	sst s25  }
0xad: {  	s6 =	sshll.u32 s26, $0x1;
	_ =	strace $0x80000046;
	[dreg:$0x1] =	wrdreg $0xFFFFFFFF  }
0xae: {  	s28 =	simm.s32 $_size_execute0_lowered;
	s3 =	sadd.s32 s3, s6;
	[dreg:$0x0] =	wrdreg $0x0  }
0xaf: {  	s6 =	sshll.u32 s28, $0x1;
	[dreg:$0x2] =	wrdreg s3  }
0xb0: {  	[dreg:$0x3] =	wrdreg s6  }
0xb1: {  	[dreg:$0x4] =	wrdreg $0xC0  }
0xb2: {  	_ =	task [dreg:s7], $0x5FFFF  }
0xb3: {  	[dreg:$0x1] =	wrdreg $0xFFFFFFFF  }
0xb4: {  	[dreg:$0x0] =	wrdreg $0x60  }
0xb5: {  	[dreg:$0x2] =	wrdreg s15  }
0xb6: {  	[dreg:$0x3] =	wrdreg s23  }
0xb7: {  	[dreg:$0x4] =	wrdreg s1  }
0xb8: {  	[dreg:$0x5] =	wrdreg s24  }
0xb9: {  	[dreg:$0x6] =	wrdreg $0x9  }
0xba: {  	_ =	task.clear_ibuf [dreg:s7], $0x7FFFF;
	_ =	strace $0x90000046  }
0xbb: {  	s29 =	simm.s32 $0x9;
	_ =	strace $0x80000048  }
0xbc: {  	_ =	swait.ge [sflag:s29], $0x1  }
0xbd: {  	[sflag:s29] =	ssyncadd.s32 $0xFFFFFFFF  }
0xbe: {  	_ =	strace $0x90000048  }
0xbf: {  	_ =	sfence  }
0xc0: {  	s30 =	sld [smem:$0x0];
	_ =	sdelay $0x2  }
0xc1: {  	s31 =	sshll.u32 s1, $0xD;
	s1 =	sshrl.u32 s1, $0x2  }
0xc2: {  	s3 =	sand.u32 $0x4000, s31;
	s1 =	sadd.s32 s1, s30  }
0xc3: {  	s0 =	sor.u32 s3, s0;
	s1 =	sshll.u32 s1, $0x11  }
0xc4: {  	s0 =	sor.u32 s1, s0  }
0xc5: {  	s0 =	sadd.s32 $0x8F2B, s0  }
0xc6: {  	[sflag:s0] =	ssyncadd.remote.s32 $0x1  }
0xc7: {  	_ =	sfence.sel $0xFFFF  }
0xc8: {  	[dreg:$0x0] =	wrdreg $0xFFFFFFFF;
	(pc) =	sbr.abs _section_cstart, $3  }
0xc9: {  	[dreg:$0x1] =	wrdreg $0xFFFFFFFF  }
0xca: {  	_ =	task.clear_ibuf [dreg:s7], $0x2FFFF;
	_ =	strace $0x9FFFFFFF  }
0xcb: {  	(tm) =	ssettm $0x7FFFFFFF  }
tec
execute0_lowered:
.L_overlay_start_1:
0x0: {  	(tag) =	ssettag $0x1  }
0x1: {  	s1 =	rddreg [dreg:$0x0]  }
0x2: {  	s2 =	rddreg [dreg:$0x1]  }
0x3: {  	s3 =	rddreg [dreg:$0x2];
	_ =	strace $0x80000047;
	s0 =	simm.s32 $0x1  }
0x4: {  	v0 =	vimm.s32 $0x0;
	[sflag:s0] =	ssyncpa.u1 $0x0;
	s0 =	simm.s32 $0x108  }
0x5: {  	[tilespmem:s0+$0x70] =	vst v0  }
0x6: {  	[tilespmem:s0+$0x60] =	vst v0  }
0x7: {  	[tilespmem:s0+$0x50] =	vst v0  }
0x8: {  	[tilespmem:s0+$0x40] =	vst v0  }
0x9: {  	s15 =	sadd.s32 $0xC00, s2;
	[tilespmem:s0+$0x30] =	vst v0  }
0xa: {  	s6 =	sadd.s32 $0x16E4200, s2;
	s3 =	sand.u32 $0x1, s3;
	s14 =	sadd.s32 $0x10C00, s2;
	[tilespmem:s0+$0x20] =	vst v0  }
0xb: {  	[dreg:$0x5] =	wrdreg s3;
	s16 =	sshll.u32 s3, $0xF;
	s3 =	simm.s32 $0x40;
	[tilespmem:s0+$0x10] =	vst v0  }
.LBB2_1:
0xc: {  	s3 =	sadd.s32 $0x40, s3;
	[tilespmem:s0+$0x0] =	vst v0;
	s0 =	sadd.s32 $0x80, s0  }
0xd: {  	p0 =	slt.u32 s3, $0x3C40;
	[tilespmem:s0+$0x70] =	vst v0  }
0xe: {  	[tilespmem:s0+$0x60] =	vst v0  }
.Ltmp0:
0xf: {  	[tilespmem:s0+$0x50] =	vst v0;
	(pc) =	sbr.rel @p0 .LBB2_1-.Ltmp0, $4  }
0x10: {  	[tilespmem:s0+$0x40] =	vst v0  }
0x11: {  	[tilespmem:s0+$0x30] =	vst v0  }
0x12: {  	[tilespmem:s0+$0x20] =	vst v0  }
0x13: {  	[tilespmem:s0+$0x10] =	vst v0  }
0x14: {  	s5 =	stileid.u32  }
0x15: {  	s2 =	smul.u32 $0x44, s5  }
0x16: {  	s3 =	smin.u32 s5, $0x5  }
0x17: {  	s2 =	sadd.s32 s3, s2  }
0x18: {  	p0 =	slt.u32 s5, $0x5;
	s7 =	smul.u32 $0xF0, s2;
	s2 =	simm.s32 $0x40B0  }
0x19: {  	s2 =	simm.s32 @!p0 $0x3FC0  }
0x1a: {  	s2 =	sadd.s32 s2, s7  }
0x1b: {  	s8 =	smin.u32 s2, $0x40000  }
0x1c: {  	s2 =	ssub.s32 s8, s7  }
0x1d: {  	p0 =	sgt.s32 s2, $0x0  }
0x1e: {  	s2 =	simm.s32 @!p0 $0x0  }
0x1f: {  	s30 =	simm.s32 $0x2;
	s10 =	simm.s32 $0x9;
	s29 =	smulhi.u32 $0x88888889, s2  }
0x20: {  	s4 =	simm.s32 $0xA;
	s11 =	simm.s32 $0xB;
	s12 =	simm.s32 $0x1  }
0x21: {  	s14 =	sadd.s32 s16, s14;
	s15 =	sadd.s32 s16, s15;
	s31 =	sshrl.u32 s29, $0x7  }
0x22: {  	s22 =	simm.s32 $0x0;
	s18 =	simm.s32 $0xC;
	s3 =	smul.u32 $0xF0, s31  }
.Ltmp1:
0x23: {  	[tilespmem:s0+$0x0] =	vst v0;
	v0 =	vimm.s32 $0xFFFFFFFF;
	s20 =	simm.s32 $0x0;
	[sflag:s30] =	ssyncpa.u1 $0x0;
	(pc) =	sbr.rel .LBB2_3-.Ltmp1, $4  }
0x24: {  	[tilespmem:$0xF208] =	vst v0;
	[sflag:s10] =	ssyncpa.u1 $0x0;
	p0 =	sne.s32 s2, s3;
	s2 =	simm.s32 $0x1  }
0x25: {  	s21 =	simm.s32 $0x0;
	[sflag:s4] =	ssyncpa.u1 $0x0;
	s2 =	simm.s32 @!p0 $0x0  }
0x26: {  	s16 =	sshll.u32 s5, $0x8;
	[sflag:s11] =	ssyncpa.u1 $0x0;
	s13 =	sadd.s32 s2, s31  }
0x27: {  	v0 =	vlaneseq.u32;
	s19 =	smov.u32 s7;
	p0 =	por $0x0, $0x0;
	s17 =	sadd.s32 $0x1, s13  }
.LBB2_18:
0x28: {  	s0 =	sshrl.u32 s31, $0x2  }
.LBB2_20:
0x29: {  	_ =	swait.ge [sflag:s18], s0  }
0x2a: {  	s31 =	ssub.s32 $0x0, s0;
	v1 =	vmov s24;
	vm0 =	veq.s32 v0, $0x0;
	[sflag:s18] =	ssyncset.done $0x0  }
0x2b: {  	vm15 =	veq.s32 v0, $0x2;
	v1 =	vsel vm0, s30, v1;
	[sflag:s18] =	ssyncadd.s32 s31  }
0x2c: {  	v1 =	vsel vm15, s22, v1;
	[sflag:s18] =	ssyncpa.u1 $0x1  }
0x2d: {  	[tilespmem:$0xF208] =	vst v1  }
.LBB2_21:
0x2e: {  	s0 =	sadd.s32 $0xF0, s19  }
0x2f: {  	s2 =	smov.u32 s7;
	p1 =	slt.s32 s0, s8  }
0x30: {  	s2 =	smov.u32 @p1 s0;
	p1 =	sne.s32 s21, s17  }
.Ltmp2:
0x31: {  	_ = 	snop;
	(pc) =	sbr.rel @!p1 .LBB2_22-.Ltmp2, $3  }
0x32: {  	_ =	sdelay $0x1  }
0x33: {  	s22 =	smov.u32 s20;
	s31 =	sadd.s32 $0x1, s21;
	s20 =	smov.u32 s19  }
0x34: {  	p0 =	por !p0, !p0;
	s21 =	smov.u32 s31;
	s19 =	smov.u32 s2  }
.LBB2_3:
0x35: {  	p1 =	sge.u32 s21, s13  }
0x36: {  	s0 =	smulhi.u32 @!p1 $0xAAAAAAAB, s21  }
0x37: {  	s2 =	smov.u32 s19;
	p2 =	sgt.s32 @!p1 s19, $0x3FF10  }
0x38: {  	s3 =	sshra.s32 @!p1 s19, $0x1F;
	p2 =	por !p2, p1;
	s0 =	sshrl.u32 @!p1 s0, $0x1  }
0x39: {  	s3 =	sand.u32 @!p1 s3, s19;
	s2 =	simm.s32 @p2 $0x3FF10;
	s0 =	smul.u32 @!p1 $0x3, s0  }
0x3a: {  	s2 =	ssub.s32 @!p1 s2, s3  }
0x3b: {  	s2 =	sadd.s32 @!p1 $0xFFFC00F0, s2;
	s0 =	ssub.s32 @!p1 s21, s0  }
0x3c: {  	s3 =	sshll.u32 @!p1 s2, $0x2;
	p2 =	sgt.s32 @!p1 s2, $0xEF;
	s0 =	smul.u32 @!p1 $0x3C0, s0  }
0x3d: {  	s4 =	sand.u32 @!p1 $0x7, s19;
	s2 =	ssub.s32 @!p1 $0x3C0, s3;
	p2 =	por !p2, p1  }
0x3e: {  	s3 =	sshrl.u32 @!p1 s19, $0x3;
	s2 =	sshrl.u32 @!p1 s2, $0x2;
	s0 =	sshrl.u32 @!p1 s0, $0x2  }
0x3f: {  	s3 =	sadd.s32 @!p1 s3, s14;
	s2 =	simm.s32 @!p2 $0x0;
	s0 =	sadd.s32 @!p1 $0x10248, s0  }
0x40: {  	[tilespmem:s0], [sflag:$0xA] =	stream.linear.gather @!p1 [hbm4b:s3+s4], s2, $0x38;
	[tilespmem:$0x1F6F8] =	vst v63  }
0x41: {  	s0 =	sadd.s32 $0xFFFFFFFF, s21  }
0x42: {  	p1 =	sge.u32 s0, s13  }
0x43: {  	p2 =	sgt.s32 @!p1 s20, $0x3FF10  }
0x44: {  	s2 =	smov.u32 s20;
	s3 =	sshra.s32 @!p1 s20, $0x1F;
	p2 =	por !p2, p1  }
0x45: {  	s3 =	sand.u32 @!p1 s3, s20;
	s2 =	simm.s32 @p2 $0x3FF10  }
0x46: {  	s2 =	ssub.s32 @!p1 s2, s3  }
0x47: {  	s2 =	sadd.s32 @!p1 $0xFFFC00F0, s2  }
0x48: {  	s4 =	sand.u32 @!p1 $0x1, s0;
	s3 =	sshll.u32 @!p1 s2, $0x2  }
0x49: {  	p2 =	sgt.s32 @!p1 s2, $0xEF;
	s2 =	ssub.s32 @!p1 $0x3C0, s3;
	s3 =	smulhi.u32 @!p1 $0xAAAAAAAB, s0  }
0x4a: {  	s23 =	smul.u32 @!p1 $0x3C0, s4;
	p2 =	por !p2, p1;
	s2 =	sshrl.u32 @!p1 s2, $0x2  }
0x4b: {  	s5 =	simm.s32 @!p1 $0xA;
	s2 =	simm.s32 @!p2 $0x0;
	s3 =	sshrl.u32 @!p1 s3, $0x1  }
0x4c: {  	s23 =	sshrl.u32 @!p1 s23, $0x2;
	_ =	swait.ge @!p1 [sflag:s5], s2;
	s3 =	smul.u32 @!p1 $0x3, s3  }
0x4d: {  	s23 =	sadd.s32 @!p1 $0x10518, s23;
	s24 =	ssub.s32 @!p1 $0x0, s2;
	[sflag:s5] =	ssyncset.done @!p1 $0x0  }
0x4e: {  	[sflag:s5] =	ssyncadd.s32 @!p1 s24;
	s5 =	sshrl.u32 @!p1 s20, $0x3;
	s0 =	ssub.s32 @!p1 s0, s3  }
0x4f: {  	s24 =	sand.u32 @!p1 $0x7, s20;
	s5 =	sadd.s32 @!p1 s5, s15;
	s0 =	smul.u32 @!p1 $0x3C0, s0  }
0x50: {  	[tilespmem:s23], [sflag:$0xB] =	stream.linear.gather @!p1 [hbm4b:s5+s24], s2, $0x38;
	[tilespmem:$0x1F6F8] =	vst v63  }
0x51: {  	s3 =	ssub.s32 @!p1 $0x40000, s20;
	s2 =	smul.u32 @!p1 $0x1E000, s4  }
0x52: {  	p2 =	slt.s32 @!p1 s3, $0xF0  }
0x53: {  	p2 =	por !p2, p1;
	s0 =	sshrl.u32 @!p1 s0, $0x2;
	s2 =	sshrl.u32 @!p1 s2, $0x2  }
0x54: {  	s3 =	simm.s32 @p2 $0xF0;
	s0 =	sadd.s32 @!p1 $0x10248, s0;
	s2 =	sor.u32 @!p1 $0x106F8, s2  }
0x55: {  	[tilespmem:s2], [sflag:$0x9] =	stream.indirect.gather @!p1 [hbm4b:s6+s3], $0x80, s0, s3, $0xb8;
	[tilespmem:$0x1F6F8] =	vst v63  }
0x56: {  	p1 =	slt.u32 s21, $0x2  }
.Ltmp3:
0x57: {  	_ = 	snop;
	(pc) =	sbr.rel @p1 .LBB2_21-.Ltmp3, $1  }
0x58: {  	_ =	sdelay $0x3  }
0x59: {  	p1 =	sgt.s32 s22, $0x3FF10  }
0x5a: {  	s0 =	smov.u32 s22;
	s2 =	sshra.s32 s22, $0x1F;
	s3 =	ssub.s32 $0x40000, s22  }
0x5b: {  	s0 =	simm.s32 @!p1 $0x3FF10;
	s2 =	sand.u32 s2, s22;
	p1 =	slt.s32 s3, $0xF0  }
0x5c: {  	s0 =	ssub.s32 s0, s2;
	s3 =	simm.s32 @!p1 $0xF0  }
0x5d: {  	s0 =	sadd.s32 $0xFFFC00F0, s0;
	s25 =	sshll.u32 s3, $0x7  }
0x5e: {  	s26 =	sshll.u32 s0, $0x2;
	s2 =	sand.u32 $0x3FFFFF80, s25  }
0x5f: {  	p1 =	sgt.s32 s0, $0xEF;
	s29 =	ssub.s32 $0x3C0, s26;
	_ =	swait.ge [sflag:s10], s2  }
0x60: {  	s2 =	ssub.s32 $0x0, s2;
	[sflag:s10] =	ssyncset.done $0x0;
	s0 =	sshrl.u32 s29, $0x2  }
0x61: {  	[sflag:s10] =	ssyncadd.s32 s2;
	s0 =	simm.s32 @p1 $0x0  }
0x62: {  	_ =	swait.ge [sflag:s11], s0  }
0x63: {  	s0 =	ssub.s32 $0x0, s0;
	[sflag:s11] =	ssyncset.done $0x0  }
0x64: {  	[sflag:s11] =	ssyncadd.s32 s0  }
0x65: {  	v1 =	vld [tilespmem:$0xF208];
	_ =	sdelay $0x4  }
0x66: {  	(v2sf) =	vpush v1, $0x0  }
0x67: {  	(v2sf) =	vpush v1, $0x1  }
0x68: {  	(v2sf) =	vpush v1, $0x2;
	_ =	sdelay $0x3  }
0x69: {  	s0 =	sadd.s32 $0xF0, s22  }
0x6a: {  	s2 =	ssub.s32 $0x80000, s22;
	p1 =	slt.s32 s8, s0  }
0x6b: {  	s0 =	smov.u32 @p1 s8;
	p1 =	sgt.s32 s2, $0x0  }
0x6c: {  	s26 =	ssub.s32 s0, s22;
	s2 =	simm.s32 @!p1 $0x0  }
0x6d: {  	p1 =	slt.s32 s2, s26  }
0x6e: {  	s26 =	smov.u32 @p1 s2  }
0x6f: {  	s25 =	simm.s32 $0x1;
	p1 =	slt.s32 s26, $0x1  }
.Ltmp4:
0x70: {  	s25 =	simm.s32 @!p0 $0x0;
	(pc) =	sbr.rel @p1 .LBB2_8-.Ltmp4, $4  }
0x71: {  	s31 =	smul.u32 $0x3C0, s25  }
0x72: {  	s28 =	spop (v2sf)  }
0x73: {  	s0 =	sshrl.u32 s31, $0x2;
	s30 =	spop (v2sf)  }
0x74: {  	s23 =	sadd.s32 $0x10518, s0;
	s22 =	spop (v2sf)  }
0x75: {  	s0 =	smin.u32 s26, $0x10  }
0x76: {  	v1 =	vmov s0  }
0x77: {  	p2 =	sgt.s32 s26, $0x10;
	vm1 =	vgt.u32 v1, v0  }
.Ltmp5:
0x78: {  	_ = 	snop;
	(pc) =	sbr.rel @!p2 .LBB2_7-.Ltmp5, $2  }
0x79: {  	_ =	sdelay $0x2  }
0x7a: {  	s4 =	simm.s32 $0x10;
	s24 =	sadd.s32 $0xFFFFFFF0, s26;
	s0 =	smov.u32 s23;
	vm0 =	vmmov vm1  }
.LBB2_6:
0x7b: {  	s2 =	smin.u32 s24, $0x10;
	s4 =	sadd.s32 $0x10, s4;
	v1 =	vld.msk [tilespmem:s0+$0x0 ss:$0x1], vm1  }
0x7c: {  	v2 =	vmov s2;
	p2 =	slt.s32 s4, s26  }
0x7d: {  	vm1 =	vgt.u32 v2, v0  }
.Ltmp6:
0x7e: {  	(pc) =	sbr.rel @p2 .LBB2_6-.Ltmp6, $3  }
0x7f: {  	_ =	sdelay $0x1  }
0x80: {  	v1 =	vshll.u32 v1, $0x4  }
0x81: {  	s24 =	sadd.s32 $0xFFFFFFF0, s24;
	[tilespmem:s0+$0x0] =	vst.msk vm0, v1;
	s0 =	sadd.s32 $0x10, s0;
	vm0 =	vmmov vm1  }
.LBB2_7:
0x82: {  	_ =	sdelay $0x4  }
0x83: {  	v1 =	vld.msk [tilespmem:s0+$0x0 ss:$0x1], vm1;
	_ =	sdelay $0x4  }
0x84: {  	v1 =	vshll.u32 v1, $0x4  }
0x85: {  	[tilespmem:s0+$0x0] =	vst.msk vm0, v1  }
.LBB2_8:
0x86: {  	s0 =	sand.u32 $0x1, s21  }
0x87: {  	s2 =	smul.u32 $0x7800, s0  }
0x88: {  	p2 =	sne.s32 s30, $0xFFFFFFFF  }
0x89: {  	v1 =	vld @!p2 [tilespmem:s2+$0x106F8];
	_ =	sdelay $0x2  }
0x8a: {  	s0 =	smul.u32 $0xF0, s0;
	_ =	sdelay $0x1  }
0x8b: {  	v2 =	vld.msk @!p2 [tilespmem:s0+$0x10518], $0x1;
	[tilespmem:$0x108] =	vst @!p2 v1  }
0x8c: {  	v1 =	vld @!p2 [tilespmem:s2+$0x10708];
	_ =	sdelay $0x4  }
0x8d: {  	[tilespmem:$0x118] =	vst @!p2 v1  }
0x8e: {  	v1 =	vld @!p2 [tilespmem:s2+$0x10718];
	_ =	sdelay $0x4  }
0x8f: {  	[tilespmem:$0x128] =	vst @!p2 v1  }
0x90: {  	v1 =	vld @!p2 [tilespmem:s2+$0x10728];
	_ =	sdelay $0x4  }
0x91: {  	[tilespmem:$0x138] =	vst @!p2 v1  }
0x92: {  	v1 =	vld @!p2 [tilespmem:s2+$0x10738];
	_ =	sdelay $0x4  }
0x93: {  	[tilespmem:$0x148] =	vst @!p2 v1  }
0x94: {  	(v2sf) =	vpush @!p2 v2, $0x0;
	v1 =	vld @!p2 [tilespmem:s2+$0x10748];
	_ =	sdelay $0x4  }
0x95: {  	[tilespmem:$0x158] =	vst @!p2 v1  }
0x96: {  	v1 =	vld @!p2 [tilespmem:s2+$0x10758];
	_ =	sdelay $0x4  }
0x97: {  	[tilespmem:$0x168] =	vst @!p2 v1  }
0x98: {  	v1 =	vld @!p2 [tilespmem:s2+$0x10768]  }
.Ltmp7:
0x99: {  	_ = 	snop;
	(pc) =	sbr.rel @p1 .LBB2_19-.Ltmp7, $4  }
0x9a: {  	_ = 	snop  }
0x9b: {  	s29 =	spop @!p2 (v2sf)  }
0x9c: {  	s22 =	simm.s32 @!p2 $0x0;
	s24 =	smov.u32 s29  }
0x9d: {  	s29 =	smov.u32 @p2 s28;
	s24 =	smov.u32 @p2 s30;
	[tilespmem:$0x178] =	vst @!p2 v1;
	[sflag:s18] =	ssyncpa.u1 $0x0  }
0x9e: {  	v1 =	vld.msk [tilespmem:s23+$0x0], $0x1;
	_ =	sdelay $0x4  }
0x9f: {  	(v2sf) =	vpush v1, $0x0;
	_ =	sdelay $0xe  }
0xa0: {  	s2 =	smul.u32 $0x1E000, s25;
	s0 =	spop (v2sf)  }
0xa1: {  	s26 =	ssub.s32 $0x0, s26;
	p1 =	seq.s32 s29, s0  }
0xa2: {  	s30 =	sadd.s32 $0x1, s26;
	s2 =	sshrl.u32 s2, $0x2;
	p2 =	sgt.s32 @!p1 s29, $0x0  }
0xa3: {  	s25 =	sor.u32 $0x10738, s2;
	s2 =	smov.u32 s29;
	p2 =	por !p2, p1  }
0xa4: {  	s2 =	simm.s32 @p2 $0x0;
	p2 =	seq.s32 s30, $0x0  }
.Ltmp8:
0xa5: {  	_ = 	snop;
	(pc) =	sbr.rel @p2 .LBB2_11-.Ltmp8, $4  }
0xa6: {  	_ = 	snop  }
0xa7: {  	s28 =	simm.s32 $0x0;
	s31 =	sadd.s32 $0x1, s23;
	s2 =	smin.u32 @!p1 s2, $0x107FF0  }
0xa8: {  	s4 =	simm.s32 @!p1 $0x1;
	s5 =	simm.s32 @!p1 $0x7988;
	s3 =	sand.u32 @!p1 $0x1FFFF8, s2  }
0xa9: {  	s4 =	smov.u32 @p1 s28;
	s2 =	sand.u32 @!p1 $0x7, s2;
	s3 =	sadd.s32 @!p1 s1, s3  }
.LBB2_10:
0xaa: {  	s9 =	smov.u32 s4  }
0xab: {  	[tilespmem:s5], [sflag:$0x2] =	stream.linear.gather @!p1 [hbm4b:s3+s2], $0x80, $0x38;
	[tilespmem:$0x1F6F8] =	vst v63  }
0xac: {  	s30 =	sadd.s32 $0x1, s30;
	s2 =	smov.u32 s0;
	v1 =	vld.msk [tilespmem:s31+$0x0], $0x1  }
0xad: {  	p2 =	seq.s32 s30, $0x0;
	_ =	sdelay $0x3  }
0xae: {  	(v2sf) =	vpush v1, $0x0;
	_ =	sdelay $0xe  }
0xaf: {  	s0 =	spop (v2sf)  }
0xb0: {  	p1 =	seq.s32 s2, s0  }
0xb1: {  	p3 =	sgt.s32 @!p1 s2, $0x0;
	s3 =	sshll.u32 @!p1 s4, $0x9;
	s4 =	sadd.s32 @!p1 $0x1, s4  }
.Ltmp9:
0xb2: {  	p3 =	por !p3, p1;
	s3 =	sshra.s32 @!p1 s3, $0x2;
	(pc) =	sbr.rel @!p2 .LBB2_10-.Ltmp9, $4  }
0xb3: {  	s4 =	smov.u32 @p1 s9;
	s2 =	simm.s32 @p3 $0x0;
	s5 =	sadd.s32 @!p1 $0x7988, s3  }
0xb4: {  	s2 =	smin.u32 @!p1 s2, $0x107FF0  }
0xb5: {  	s3 =	sand.u32 @!p1 $0x1FFFF8, s2;
	s2 =	sand.u32 @!p1 $0x7, s2  }
0xb6: {  	s31 =	sadd.s32 $0x1, s31;
	s3 =	sadd.s32 @!p1 s1, s3  }
.LBB2_11:
0xb7: {  	[tilespmem:s5], [sflag:$0x2] =	stream.linear.gather @!p1 [hbm4b:s3+s2], $0x80, $0x38;
	[tilespmem:$0x1F6F8] =	vst v63  }
.Ltmp10:
0xb8: {  	s0 =	sshll.u32 s4, $0x7;
	(pc) =	sbr.rel .LBB2_12-.Ltmp10, $4  }
0xb9: {  	s30 =	simm.s32 $0x2;
	s0 =	sand.u32 $0x3FFFFF80, s0  }
0xba: {  	_ =	swait.ge [sflag:s30], s0  }
0xbb: {  	s0 =	ssub.s32 $0x0, s0;
	[sflag:s30] =	ssyncset.done $0x0  }
0xbc: {  	s31 =	simm.s32 $0x0;
	[sflag:s30] =	ssyncadd.s32 s0  }
.LBB2_13:
0xbd: {  	s0 =	sshra.s32 s0, $0x2;
	v1 =	vld [tilespmem:s25+$0xFFFFFFC0]  }
0xbe: {  	v2 =	vld [tilespmem:s0+$0x108];
	_ =	sdelay $0x4  }
0xbf: {  	v1 =	vmax.f32 v1, v2  }
0xc0: {  	v2 =	vld [tilespmem:s0+$0x118];
	[tilespmem:s0+$0x108] =	vst v1  }
0xc1: {  	v1 =	vld [tilespmem:s25+$0xFFFFFFD0];
	_ =	sdelay $0x4  }
0xc2: {  	v1 =	vmax.f32 v1, v2  }
0xc3: {  	v2 =	vld [tilespmem:s0+$0x128];
	[tilespmem:s0+$0x118] =	vst v1  }
0xc4: {  	v1 =	vld [tilespmem:s25+$0xFFFFFFE0];
	_ =	sdelay $0x4  }
0xc5: {  	v1 =	vmax.f32 v1, v2  }
0xc6: {  	v2 =	vld [tilespmem:s0+$0x138];
	[tilespmem:s0+$0x128] =	vst v1  }
0xc7: {  	v1 =	vld [tilespmem:s25+$0xFFFFFFF0];
	_ =	sdelay $0x4  }
0xc8: {  	v1 =	vmax.f32 v1, v2  }
0xc9: {  	v2 =	vld [tilespmem:s0+$0x148];
	[tilespmem:s0+$0x138] =	vst v1  }
0xca: {  	v1 =	vld [tilespmem:s25+$0x0];
	_ =	sdelay $0x4  }
0xcb: {  	v1 =	vmax.f32 v1, v2  }
0xcc: {  	v2 =	vld [tilespmem:s0+$0x158];
	[tilespmem:s0+$0x148] =	vst v1  }
0xcd: {  	v1 =	vld [tilespmem:s25+$0x10];
	_ =	sdelay $0x4  }
0xce: {  	v1 =	vmax.f32 v1, v2  }
0xcf: {  	v2 =	vld [tilespmem:s0+$0x168];
	[tilespmem:s0+$0x158] =	vst v1  }
0xd0: {  	v1 =	vld [tilespmem:s25+$0x20];
	_ =	sdelay $0x4  }
0xd1: {  	v1 =	vmax.f32 v1, v2  }
0xd2: {  	v2 =	vld [tilespmem:s0+$0x178];
	[tilespmem:s0+$0x168] =	vst v1  }
0xd3: {  	v1 =	vld [tilespmem:s25+$0x30];
	_ =	sdelay $0x4  }
0xd4: {  	v1 =	vmax.f32 v1, v2  }
0xd5: {  	[tilespmem:s0+$0x178] =	vst v1  }
.LBB2_17:
0xd6: {  	s26 =	sadd.s32 $0x1, s26  }
0xd7: {  	p1 =	seq.s32 s26, $0x0  }
.Ltmp11:
0xd8: {  	_ = 	snop;
	(pc) =	sbr.rel @p1 .LBB2_18-.Ltmp11, $2  }
0xd9: {  	_ =	sdelay $0x2  }
0xda: {  	s23 =	sadd.s32 $0x1, s23;
	s25 =	sadd.s32 $0x80, s25;
	s29 =	smov.u32 s30  }
.LBB2_12:
0xdb: {  	v1 =	vld.msk [tilespmem:s23+$0x0], $0x1;
	_ =	sdelay $0x4  }
0xdc: {  	(v2sf) =	vpush v1, $0x0;
	_ =	sdelay $0xe  }
0xdd: {  	s30 =	spop (v2sf)  }
0xde: {  	p1 =	sne.s32 s29, s30  }
.Ltmp12:
0xdf: {  	_ = 	snop;
	(pc) =	sbr.rel @!p1 .LBB2_13-.Ltmp12, $2  }
0xe0: {  	_ =	sdelay $0x2  }
0xe1: {  	s0 =	sshll.u32 s22, $0x9  }
0xe2: {  	p1 =	seq.s32 s29, s24  }
.Ltmp13:
0xe3: {  	_ = 	snop;
	(pc) =	sbr.rel @!p1 .LBB2_15-.Ltmp13, $1  }
0xe4: {  	_ =	sdelay $0x3  }
0xe5: {  	s0 =	sshra.s32 s0, $0x2  }
.Ltmp14:
0xe6: {  	s0 =	sadd.s32 $0x108, s0;
	(pc) =	sbr.rel .LBB2_16-.Ltmp14, $4  }
0xe7: {  	[spmem:s16] =	stream.linear.scatter [tilespmem:s0], [sflag:$0x1], $0x80, $0x38;
	[tilespmem:$0x1F6F8] =	vst v63  }
0xe8: {  	_ =	swait.ge [sflag:s12], $0x80  }
0xe9: {  	[sflag:s12] =	ssyncset.done $0x0  }
0xea: {  	[sflag:s12] =	ssyncadd.s32 $0xFFFFFF80  }
.LBB2_15:
0xeb: {  	s2 =	sshll.u32 s28, $0x9;
	s0 =	sshra.s32 s0, $0x2  }
0xec: {  	s2 =	sshra.s32 s2, $0x2;
	v2 =	vld [tilespmem:s0+$0x108]  }
0xed: {  	v1 =	vld [tilespmem:s2+$0x7988];
	_ =	sdelay $0x4  }
0xee: {  	v1 =	vmax.f32 v1, v2  }
0xef: {  	v2 =	vld [tilespmem:s0+$0x118];
	[tilespmem:s0+$0x108] =	vst v1  }
0xf0: {  	v1 =	vld [tilespmem:s2+$0x7998];
	_ =	sdelay $0x4  }
0xf1: {  	v1 =	vmax.f32 v1, v2  }
0xf2: {  	v2 =	vld [tilespmem:s0+$0x128];
	[tilespmem:s0+$0x118] =	vst v1  }
0xf3: {  	v1 =	vld [tilespmem:s2+$0x79A8];
	_ =	sdelay $0x4  }
0xf4: {  	v1 =	vmax.f32 v1, v2  }
0xf5: {  	v2 =	vld [tilespmem:s0+$0x138];
	[tilespmem:s0+$0x128] =	vst v1  }
0xf6: {  	v1 =	vld [tilespmem:s2+$0x79B8];
	_ =	sdelay $0x4  }
0xf7: {  	v1 =	vmax.f32 v1, v2  }
0xf8: {  	v2 =	vld [tilespmem:s0+$0x148];
	[tilespmem:s0+$0x138] =	vst v1  }
0xf9: {  	v1 =	vld [tilespmem:s2+$0x79C8];
	_ =	sdelay $0x4  }
0xfa: {  	v1 =	vmax.f32 v1, v2  }
0xfb: {  	v2 =	vld [tilespmem:s0+$0x158];
	[tilespmem:s0+$0x148] =	vst v1  }
0xfc: {  	v1 =	vld [tilespmem:s2+$0x79D8];
	_ =	sdelay $0x4  }
0xfd: {  	v1 =	vmax.f32 v1, v2  }
0xfe: {  	v2 =	vld [tilespmem:s0+$0x168];
	[tilespmem:s0+$0x158] =	vst v1  }
0xff: {  	v1 =	vld [tilespmem:s2+$0x79E8];
	_ =	sdelay $0x4  }
0x100: {  	v1 =	vmax.f32 v1, v2  }
0x101: {  	v2 =	vld [tilespmem:s0+$0x178];
	[tilespmem:s0+$0x168] =	vst v1  }
0x102: {  	v1 =	vld [tilespmem:s2+$0x79F8];
	_ =	sdelay $0x3  }
0x103: {  	p1 =	sgt.u32 s29, $0x107FF0  }
0x104: {  	s2 =	sand.u32 @!p1 $0x1FFFF8, s29;
	v1 =	vmax.f32 v1, v2  }
0x105: {  	s3 =	sadd.s32 $0x108, s0;
	[tilespmem:s0+$0x178] =	vst v1;
	s0 =	sadd.s32 @!p1 s1, s2;
	s2 =	sand.u32 @!p1 $0x7, s29  }
0x106: {  	[hbm4b:s0+s2] =	stream.linear.scatter @!p1 [tilespmem:s3], [sflag:$0xC], $0x80, $0x38;
	[tilespmem:$0x1F6F8] =	vst v63  }
0x107: {  	s0 =	simm.s32 $0x0  }
0x108: {  	s0 =	simm.s32 @!p1 $0x200  }
0x109: {  	s31 =	sadd.s32 s0, s31  }
.LBB2_16:
0x10a: {  	s0 =	sadd.s32 $0x1, s22  }
0x10b: {  	s2 =	smulhi.u32 $0x88888889, s0;
	_ =	sdelay $0x1  }
0x10c: {  	v1 =	vld [tilespmem:s25+$0xFFFFFFC0];
	s2 =	sshrl.u32 s2, $0x7  }
0x10d: {  	s2 =	smul.u32 $0xF0, s2;
	_ =	sdelay $0x1  }
0x10e: {  	s22 =	ssub.s32 s0, s2  }
0x10f: {  	s0 =	sshll.u32 s22, $0x7  }
0x110: {  	[tilespmem:s0+$0x108] =	vst v1  }
0x111: {  	v1 =	vld [tilespmem:s25+$0xFFFFFFD0];
	_ =	sdelay $0x4  }
0x112: {  	[tilespmem:s0+$0x118] =	vst v1  }
0x113: {  	v1 =	vld [tilespmem:s25+$0xFFFFFFE0];
	_ =	sdelay $0x4  }
0x114: {  	[tilespmem:s0+$0x128] =	vst v1  }
0x115: {  	v1 =	vld [tilespmem:s25+$0xFFFFFFF0];
	_ =	sdelay $0x4  }
0x116: {  	[tilespmem:s0+$0x138] =	vst v1  }
0x117: {  	v1 =	vld [tilespmem:s25+$0x0];
	_ =	sdelay $0x4  }
0x118: {  	[tilespmem:s0+$0x148] =	vst v1  }
0x119: {  	v1 =	vld [tilespmem:s25+$0x10];
	_ =	sdelay $0x4  }
0x11a: {  	[tilespmem:s0+$0x158] =	vst v1  }
0x11b: {  	v1 =	vld [tilespmem:s25+$0x20];
	_ =	sdelay $0x4  }
0x11c: {  	[tilespmem:s0+$0x168] =	vst v1  }
0x11d: {  	v1 =	vld [tilespmem:s25+$0x30]  }
.Ltmp15:
0x11e: {  	_ = 	snop;
	(pc) =	sbr.rel .LBB2_17-.Ltmp15, $2  }
0x11f: {  	_ =	sdelay $0x2  }
0x120: {  	s28 =	sadd.s32 $0x1, s28;
	[tilespmem:s0+$0x178] =	vst v1  }
.LBB2_19:
.Ltmp16:
0x121: {  	(pc) =	sbr.rel .LBB2_20-.Ltmp16, $4  }
0x122: {  	_ = 	snop  }
0x123: {  	s0 =	simm.s32 $0x2  }
0x124: {  	_ =	swait.ge [sflag:s0], $0x0  }
0x125: {  	s30 =	smov.u32 s29;
	[sflag:s0] =	ssyncset.done $0x0;
	s0 =	simm.s32 $0x0  }
.LBB2_22:
0x126: {  	_ =	sfence.sel $0x180000  }
0x127: {  	s0 =	simm.s32 $0x9;
	[bflag:$0x0] =	sbarrier.arrive $0xFFFF  }
0x128: {  	s24 =	simm.s32 $0xA;
	[sflag:s0] =	ssyncpa.u1 $0x1  }
0x129: {  	s25 =	simm.s32 $0xB;
	[sflag:s24] =	ssyncpa.u1 $0x1  }
0x12a: {  	s26 =	simm.s32 $0x2;
	[sflag:s25] =	ssyncpa.u1 $0x1  }
0x12b: {  	[sflag:s26] =	ssyncpa.u1 $0x1  }
0x12c: {  	v0 =	vld [tilespmem:$0xF208];
	_ =	sdelay $0x4  }
0x12d: {  	(v2sf) =	vpush v0, $0x0  }
0x12e: {  	(v2sf) =	vpush v0, $0x1;
	_ =	sdelay $0x1  }
0x12f: {  	(v2sf) =	vpush v0, $0x2;
	_ =	sdelay $0xb  }
0x130: {  	s0 =	spop (v2sf)  }
0x131: {  	s2 =	spop (v2sf)  }
0x132: {  	s3 =	smov.u32 s0;
	p0 =	sne.s32 s0, s2  }
0x133: {  	s4 =	spop (v2sf);
	s3 =	simm.s32 @!p0 $0xFFFFFFFF  }
0x134: {  	v2 =	vimm.s32 $0x1;
	v3 =	vlaneseq.u32;
	p0 =	seq.s32 s4, $0xFFFFFFFF;
	v1 =	vmov s3  }
0x135: {  	s16 =	stileid.u32;
	v0 =	vperm.xlane v0, v2;
	p1 =	sne.s32 @!p0 s0, s2;
	v1 =	vperm.xlane v1, v3  }
0x136: {  	vm0 =	vcmask $0x3F04;
	s6 =	simm.s32 $0xF208;
	s0 =	simm.s32 @!p0 $0x1;
	p1 =	por !p1, p0  }
0x137: {  	s3 =	sshll.u32 s16, $0x1;
	s2 =	sshll.u32 @!p0 s4, $0x9;
	s0 =	simm.s32 @p1 $0x0;
	v0 =	vsel vm0, v1, v0  }
0x138: {  	s5 =	sor.u32 $0x1000, s3;
	s2 =	sshra.s32 @!p0 s2, $0x2;
	s0 =	sor.u32 @!p0 s0, s3;
	[tilespmem:$0xF208] =	vst v0  }
0x139: {  	[spmem:s5] =	stream.linear.scatter [tilespmem:s6], [sflag:$0x1], $0x2, $0x38;
	[tilespmem:$0x1F6F8] =	vst v63  }
0x13a: {  	s2 =	sadd.s32 @!p0 $0x108, s2;
	s0 =	sshll.u32 @!p0 s0, $0x7  }
0x13b: {  	[spmem:s0] =	stream.linear.scatter @!p0 [tilespmem:s2], [sflag:$0x1], $0x80, $0x38;
	[tilespmem:$0x1F6F8] =	vst v63  }
0x13c: {  	s0 =	simm.s32 @!p0 $0x82  }
0x13d: {  	s28 =	simm.s32 $0x1;
	s0 =	simm.s32 @p0 $0x2  }
0x13e: {  	_ =	swait.ge [sflag:s28], s0  }
0x13f: {  	s0 =	ssub.s32 $0x0, s0;
	[sflag:s28] =	ssyncset.done $0x0  }
0x140: {  	p0 =	sne.s32 s16, $0x0;
	[sflag:s28] =	ssyncadd.s32 s0  }
.Ltmp17:
0x141: {  	_ =	sfence.stream.spmem;
	(pc) =	sbr.rel @p0 .LBB2_39-.Ltmp17, $4  }
0x142: {  	s29 =	simm.s32 $0x3;
	[bflag:$0x0] =	sbarrier.arrive $0xFFFF  }
0x143: {  	s30 =	simm.s32 $0x4;
	[sflag:s29] =	ssyncpa.u1 $0x1  }
0x144: {  	s31 =	simm.s32 $0x3C;
	[sflag:s30] =	ssyncpa.u1 $0x1  }
0x145: {  	s15 =	rddreg [dreg:$0x5];
	[sflag:s31] =	ssyncpa.u1 $0x1  }
0x146: {  	_ =	sfence.stream.spmem;
	s0 =	simm.s32 $0x5  }
0x147: {  	s2 =	simm.s32 $0x1000;
	s3 =	simm.s32 $0xF218;
	[sflag:s0] =	ssyncpa.u1 $0x0  }
0x148: {  	[tilespmem:s3], [sflag:$0x5] =	stream.linear.gather [spmem:s2], $0x20, $0x38;
	[tilespmem:$0x1F6F8] =	vst v63  }
0x149: {  	s26 =	simm.s32 $0x0;
	s28 =	simm.s32 $0xF238  }
0x14a: {  	[tilespmem:s28], [sflag:$0x5] =	stream.linear.gather [spmem:s26], $0x1000, $0x38;
	[tilespmem:$0x1F6F8] =	vst v63  }
0x14b: {  	_ =	swait.ge [sflag:s0], $0x1020  }
0x14c: {  	[sflag:s0] =	ssyncset.done $0x0  }
0x14d: {  	s29 =	simm.s32 $0x0;
	[sflag:s0] =	ssyncadd.s32 $0xFFFFEFE0  }
0x14e: {  	v0 =	vld.msk [tilespmem:s29+$0xF218], $0x1;
	_ =	sdelay $0x1  }
0x14f: {  	s30 =	simm.s32 $0x1  }
0x150: {  	v1 =	vld.msk [tilespmem:s30+$0xF218], $0x1;
	_ =	sdelay $0x1  }
0x151: {  	(v2sf) =	vpush v0, $0x0;
	_ =	sdelay $0x2  }
0x152: {  	(v2sf) =	vpush v1, $0x0;
	_ =	sdelay $0x2  }
0x153: {  	s31 =	simm.s32 $0x2  }
0x154: {  	v0 =	vld.msk [tilespmem:s31+$0xF218], $0x1;
	_ =	sdelay $0x2  }
0x155: {  	s4 =	simm.s32 $0xFFFFFFFF;
	s5 =	simm.s32 $0xFFFFFFFF;
	s0 =	simm.s32 $0xC  }
.LBB2_24:
0x156: {  	s2 =	smov.u32 s5;
	s3 =	smov.u32 s4  }
0x157: {  	s4 =	sshra.s32 s0, $0x2;
	p1 =	sne.s32 s0, $0x7C;
	s0 =	sadd.s32 $0x4, s0;
	(v2sf) =	vpush v0, $0x0  }
0x158: {  	v0 =	vld.msk [tilespmem:s4+$0xF218], $0x1  }
.Ltmp18:
0x159: {  	(pc) =	sbr.rel @p1 .LBB2_24-.Ltmp18, $4  }
0x15a: {  	s5 =	spop (v2sf)  }
0x15b: {  	p2 =	sne.s32 s3, $0xFFFFFFFF;
	s4 =	smov.u32 s5  }
0x15c: {  	p3 =	seq.s32 s5, $0xFFFFFFFF;
	s4 =	smov.u32 @p2 s3  }
0x15d: {  	s5 =	smov.u32 @p3 s2;
	s4 =	smov.u32 @p3 s3  }
0x15e: {  	(v2sf) =	vpush v0, $0x0;
	_ =	sdelay $0x8  }
0x15f: {  	s0 =	spop (v2sf)  }
0x160: {  	p1 =	sne.s32 s4, $0xFFFFFFFF;
	s2 =	smov.u32 s0  }
0x161: {  	s9 =	simm.s32 $0x6;
	p2 =	seq.s32 s0, $0xFFFFFFFF;
	s2 =	smov.u32 @p1 s4  }
0x162: {  	s6 =	simm.s32 $0x0;
	s2 =	smov.u32 @p2 s4;
	s3 =	spop (v2sf)  }
0x163: {  	s0 =	smov.u32 @p2 s5;
	p1 =	sne.s32 s2, $0xFFFFFFFF;
	s4 =	smov.u32 s3  }
.Ltmp19:
0x164: {  	p2 =	seq.s32 s3, $0xFFFFFFFF;
	s4 =	smov.u32 @p1 s2;
	(pc) =	sbr.rel .LBB2_26-.Ltmp19, $4  }
0x165: {  	s10 =	simm.s32 $0xF188;
	s4 =	smov.u32 @p2 s2;
	s7 =	spop (v2sf)  }
0x166: {  	s11 =	simm.s32 $0x0;
	p1 =	sne.s32 s4, $0xFFFFFFFF;
	s8 =	smov.u32 s7  }
0x167: {  	s3 =	smov.u32 @p2 s0;
	p2 =	seq.s32 s7, $0xFFFFFFFF;
	s8 =	smov.u32 @p1 s4  }
0x168: {  	[sflag:s9] =	ssyncpa.u1 $0x0;
	s7 =	smov.u32 @p2 s3;
	s8 =	smov.u32 @p2 s4  }
.LBB2_32:
0x169: {  	p1 =	sgt.u32 s12, $0x107FF0  }
0x16a: {  	p2 =	seq.s32 @!p1 s12, s8  }
0x16b: {  	p1 =	por p1, p2  }
0x16c: {  	p2 =	sne.s32 @!p1 s12, s7  }
0x16d: {  	p1 =	por p1, !p2  }
0x16e: {  	s0 =	sshll.u32 @p1 s11, $0x9  }
0x16f: {  	s0 =	sand.u32 @!p1 $0x1FFFF8, s12  }
0x170: {  	s2 =	sand.u32 @!p1 $0x7, s12;
	s0 =	sadd.s32 @!p1 s1, s0  }
0x171: {  	[tilespmem:s10], [sflag:$0x6] =	stream.linear.gather @!p1 [hbm4b:s0+s2], $0x80, $0x38;
	[tilespmem:$0x1F6F8] =	vst v63  }
0x172: {  	_ =	swait.ge @!p1 [sflag:s9], $0x80  }
0x173: {  	[sflag:s9] =	ssyncset.done @!p1 $0x0  }
0x174: {  	s0 =	sshll.u32 @!p1 s11, $0x9;
	[sflag:s9] =	ssyncadd.s32 @!p1 $0xFFFFFF80  }
0x175: {  	s2 =	sshrl.u32 @!p1 s0, $0x2;
	v1 =	vld @!p1 [tilespmem:$0xF188]  }
0x176: {  	v2 =	vld @!p1 [tilespmem:s2+$0xF238];
	_ =	sdelay $0x4  }
0x177: {  	v1 =	vmax.f32 @!p1 v1, v2  }
0x178: {  	v2 =	vld @!p1 [tilespmem:s2+$0xF248];
	[tilespmem:s2+$0xF238] =	vst @!p1 v1  }
0x179: {  	v1 =	vld @!p1 [tilespmem:$0xF198];
	_ =	sdelay $0x4  }
0x17a: {  	v1 =	vmax.f32 @!p1 v1, v2  }
0x17b: {  	v2 =	vld @!p1 [tilespmem:s2+$0xF258];
	[tilespmem:s2+$0xF248] =	vst @!p1 v1  }
0x17c: {  	v1 =	vld @!p1 [tilespmem:$0xF1A8];
	_ =	sdelay $0x4  }
0x17d: {  	v1 =	vmax.f32 @!p1 v1, v2  }
0x17e: {  	v2 =	vld @!p1 [tilespmem:s2+$0xF268];
	[tilespmem:s2+$0xF258] =	vst @!p1 v1  }
0x17f: {  	v1 =	vld @!p1 [tilespmem:$0xF1B8];
	_ =	sdelay $0x4  }
0x180: {  	v1 =	vmax.f32 @!p1 v1, v2  }
0x181: {  	v2 =	vld @!p1 [tilespmem:s2+$0xF278];
	[tilespmem:s2+$0xF268] =	vst @!p1 v1  }
0x182: {  	v1 =	vld @!p1 [tilespmem:$0xF1C8];
	_ =	sdelay $0x4  }
0x183: {  	v1 =	vmax.f32 @!p1 v1, v2  }
0x184: {  	v2 =	vld @!p1 [tilespmem:s2+$0xF288];
	[tilespmem:s2+$0xF278] =	vst @!p1 v1  }
0x185: {  	v1 =	vld @!p1 [tilespmem:$0xF1D8];
	_ =	sdelay $0x4  }
0x186: {  	v1 =	vmax.f32 @!p1 v1, v2  }
0x187: {  	v2 =	vld @!p1 [tilespmem:s2+$0xF298];
	[tilespmem:s2+$0xF288] =	vst @!p1 v1  }
0x188: {  	v1 =	vld @!p1 [tilespmem:$0xF1E8];
	_ =	sdelay $0x4  }
0x189: {  	v1 =	vmax.f32 @!p1 v1, v2  }
0x18a: {  	v2 =	vld @!p1 [tilespmem:s2+$0xF2A8];
	[tilespmem:s2+$0xF298] =	vst @!p1 v1  }
0x18b: {  	v1 =	vld @!p1 [tilespmem:$0xF1F8];
	_ =	sdelay $0x4  }
0x18c: {  	v1 =	vmax.f32 @!p1 v1, v2  }
0x18d: {  	[tilespmem:s2+$0xF2A8] =	vst @!p1 v1  }
0x18e: {  	s0 =	sshrl.u32 s0, $0x2;
	[tilespmem:s6+$0xF218] =	vst.msk $0x1, v0  }
0x18f: {  	v0 =	vld [tilespmem:s0+$0xF238];
	_ =	sdelay $0x2  }
0x190: {  	s31 =	sshll.u32 s6, $0x9  }
0x191: {  	s2 =	sshra.s32 s31, $0x2  }
0x192: {  	[tilespmem:s2+$0xF238] =	vst v0  }
0x193: {  	v0 =	vld [tilespmem:s0+$0xF248];
	_ =	sdelay $0x4  }
0x194: {  	[tilespmem:s2+$0xF248] =	vst v0  }
0x195: {  	v0 =	vld [tilespmem:s0+$0xF258];
	_ =	sdelay $0x4  }
0x196: {  	[tilespmem:s2+$0xF258] =	vst v0  }
0x197: {  	v0 =	vld [tilespmem:s0+$0xF268];
	_ =	sdelay $0x4  }
0x198: {  	[tilespmem:s2+$0xF268] =	vst v0  }
0x199: {  	v0 =	vld [tilespmem:s0+$0xF278];
	_ =	sdelay $0x4  }
0x19a: {  	[tilespmem:s2+$0xF278] =	vst v0  }
0x19b: {  	v0 =	vld [tilespmem:s0+$0xF288];
	_ =	sdelay $0x4  }
0x19c: {  	[tilespmem:s2+$0xF288] =	vst v0  }
0x19d: {  	v0 =	vld [tilespmem:s0+$0xF298];
	_ =	sdelay $0x4  }
0x19e: {  	[tilespmem:s2+$0xF298] =	vst v0  }
0x19f: {  	v0 =	vld [tilespmem:s0+$0xF2A8];
	_ =	sdelay $0x4  }
0x1a0: {  	s6 =	sadd.s32 $0x1, s6;
	[tilespmem:s2+$0xF2A8] =	vst v0  }
.LBB2_33:
0x1a1: {  	s11 =	sadd.s32 $0x1, s11  }
0x1a2: {  	p1 =	sne.s32 s11, $0x20  }
.Ltmp20:
0x1a3: {  	_ = 	snop;
	(pc) =	sbr.rel @!p1 .LBB2_34-.Ltmp20, $1  }
0x1a4: {  	_ =	sdelay $0x3  }
.LBB2_26:
0x1a5: {  	v0 =	vld.msk [tilespmem:s11+$0xF218], $0x1;
	_ =	sdelay $0x4  }
0x1a6: {  	(v2sf) =	vpush v0, $0x0;
	_ =	sdelay $0xe  }
0x1a7: {  	s12 =	spop (v2sf)  }
0x1a8: {  	p1 =	seq.s32 s12, $0xFFFFFFFF  }
.Ltmp21:
0x1a9: {  	_ = 	snop;
	(pc) =	sbr.rel @p1 .LBB2_33-.Ltmp21, $1  }
0x1aa: {  	_ =	sdelay $0x3  }
0x1ab: {  	p1 =	slt.s32 s6, $0x1  }
.Ltmp22:
0x1ac: {  	_ = 	snop;
	(pc) =	sbr.rel @p1 .LBB2_32-.Ltmp22, $1  }
0x1ad: {  	_ =	sdelay $0x3  }
0x1ae: {  	s13 =	simm.s32 $0xF218;
	p1 =	por $0x0, $0x0  }
0x1af: {  	v1 =	vld.msk @!p1 [tilespmem:s13+$0x0], $0x1;
	_ =	sdelay $0x4  }
0x1b0: {  	(v2sf) =	vpush @!p1 v1, $0x0;
	_ =	sdelay $0xd  }
0x1b1: {  	p3 =	sne.s32 s6, $0x1  }
.Ltmp23:
0x1b2: {  	s0 =	spop @!p1 (v2sf);
	(pc) =	sbr.rel @!p3 .LBB2_30-.Ltmp23, $4  }
0x1b3: {  	p2 =	seq.s32 @!p1 s12, s0  }
0x1b4: {  	s14 =	simm.s32 $0x0;
	p2 =	por !p2, p1  }
0x1b5: {  	s2 =	simm.s32 $0xFFFFFFFF;
	s14 =	simm.s32 @p2 $0xFFFFFFFF  }
0x1b6: {  	s0 =	simm.s32 $0x1;
	s14 =	smov.u32 @p1 s2  }
.LBB2_29:
0x1b7: {  	s2 =	smov.u32 s14;
	p1 =	sne.s32 s14, $0xFFFFFFFF  }
0x1b8: {  	s13 =	sadd.s32 $0x1, s13;
	s14 =	smov.u32 s0;
	s0 =	sadd.s32 $0x1, s0  }
0x1b9: {  	p2 =	sne.s32 s6, s0;
	v1 =	vld.msk @!p1 [tilespmem:s13+$0x0], $0x1;
	_ =	sdelay $0x4  }
0x1ba: {  	(v2sf) =	vpush @!p1 v1, $0x0;
	_ =	sdelay $0xe  }
.Ltmp24:
0x1bb: {  	s3 =	spop @!p1 (v2sf);
	(pc) =	sbr.rel @p2 .LBB2_29-.Ltmp24, $4  }
0x1bc: {  	p3 =	seq.s32 @!p1 s12, s3  }
0x1bd: {  	p3 =	por !p3, p1  }
0x1be: {  	s14 =	simm.s32 @p3 $0xFFFFFFFF  }
0x1bf: {  	s14 =	smov.u32 @p1 s2  }
.LBB2_30:
0x1c0: {  	p1 =	seq.s32 s14, $0xFFFFFFFF  }
.Ltmp25:
0x1c1: {  	_ = 	snop;
	(pc) =	sbr.rel @p1 .LBB2_32-.Ltmp25, $1  }
0x1c2: {  	_ =	sdelay $0x3  }
0x1c3: {  	s0 =	sshll.u32 s11, $0x7  }
0x1c4: {  	s2 =	sshll.u32 s14, $0x9;
	s0 =	sand.u32 $0x3FFFFF80, s0  }
0x1c5: {  	s2 =	sshra.s32 s2, $0x2;
	v0 =	vld [tilespmem:s0+$0xF238]  }
0x1c6: {  	v1 =	vld [tilespmem:s2+$0xF238];
	_ =	sdelay $0x4  }
0x1c7: {  	v0 =	vmax.f32 v0, v1  }
0x1c8: {  	v57 =	vld [tilespmem:s2+$0xF248];
	[tilespmem:s2+$0xF238] =	vst v0  }
0x1c9: {  	v0 =	vld [tilespmem:s0+$0xF248];
	_ =	sdelay $0x4  }
0x1ca: {  	v0 =	vmax.f32 v0, v57  }
0x1cb: {  	v58 =	vld [tilespmem:s2+$0xF258];
	[tilespmem:s2+$0xF248] =	vst v0  }
0x1cc: {  	v0 =	vld [tilespmem:s0+$0xF258];
	_ =	sdelay $0x4  }
0x1cd: {  	v0 =	vmax.f32 v0, v58  }
0x1ce: {  	v59 =	vld [tilespmem:s2+$0xF268];
	[tilespmem:s2+$0xF258] =	vst v0  }
0x1cf: {  	v0 =	vld [tilespmem:s0+$0xF268];
	_ =	sdelay $0x4  }
0x1d0: {  	v0 =	vmax.f32 v0, v59  }
0x1d1: {  	v60 =	vld [tilespmem:s2+$0xF278];
	[tilespmem:s2+$0xF268] =	vst v0  }
0x1d2: {  	v0 =	vld [tilespmem:s0+$0xF278];
	_ =	sdelay $0x4  }
0x1d3: {  	v0 =	vmax.f32 v0, v60  }
0x1d4: {  	v61 =	vld [tilespmem:s2+$0xF288];
	[tilespmem:s2+$0xF278] =	vst v0  }
0x1d5: {  	v0 =	vld [tilespmem:s0+$0xF288];
	_ =	sdelay $0x4  }
0x1d6: {  	v0 =	vmax.f32 v0, v61  }
0x1d7: {  	v62 =	vld [tilespmem:s2+$0xF298];
	[tilespmem:s2+$0xF288] =	vst v0  }
0x1d8: {  	v0 =	vld [tilespmem:s0+$0xF298];
	_ =	sdelay $0x4  }
0x1d9: {  	v0 =	vmax.f32 v0, v62  }
0x1da: {  	v63 =	vld [tilespmem:s2+$0xF2A8];
	[tilespmem:s2+$0xF298] =	vst v0  }
0x1db: {  	v0 =	vld [tilespmem:s0+$0xF2A8];
	_ =	sdelay $0x1  }
.Ltmp26:
0x1dc: {  	_ = 	snop;
	(pc) =	sbr.rel .LBB2_33-.Ltmp26, $3  }
0x1dd: {  	_ =	sdelay $0x1  }
0x1de: {  	v0 =	vmax.f32 v0, v63  }
0x1df: {  	[tilespmem:s2+$0xF2A8] =	vst v0  }
.LBB2_34:
0x1e0: {  	s0 =	simm.s32 $0x6;
	p1 =	seq.s32 s6, $0x0  }
0x1e1: {  	[sflag:s0] =	ssyncpa.u1 $0x1;
	v0 =	vimm.s32 @p1 $0xFFFFFFFF  }
0x1e2: {  	s9 =	sadd.s32 $0xFFFFFFFF, s6;
	[tilespmem:$0x10238] =	vst @p1 v0  }
0x1e3: {  	v0 =	vld.msk @!p1 [tilespmem:s9+$0xF218], $0x1;
	_ =	sdelay $0x1  }
0x1e4: {  	v1 =	vld.msk @!p1 [tilespmem:$0xF218], $0x1;
	_ =	sdelay $0x2  }
0x1e5: {  	p2 =	seq.s32 @!p1 s9, $0x0;
	v0 =	vbroadcast @!p1 v0, $0x0  }
0x1e6: {  	vm0 =	vmmov @!p1 $0x1;
	p2 =	por !p2, p1  }
0x1e7: {  	v1 =	vnsel @!p1 vm0, $0xFFFFFFFF, v1;
	vm0 =	vcmask @!p1 $0x308;
	v0 =	vpsel !p2, $0xFFFFFFFF, v0  }
0x1e8: {  	p2 =	sne.s32 @!p1 s8, s7;
	v0 =	vsel @!p1 vm0, v1, v0  }
0x1e9: {  	s0 =	simm.s32 @!p1 $0xF238;
	s2 =	simm.s32 @!p1 $0x0;
	p3 =	por !p2, p1;
	[tilespmem:$0x10238] =	vst @!p1 v0  }
0x1ea: {  	[spmem:s2] =	stream.linear.scatter @!p1 [tilespmem:s0], [sflag:$0x1], $0x80, $0x38;
	[tilespmem:$0x1F6F8] =	vst v63  }
0x1eb: {  	s0 =	sshll.u32 @!p3 s9, $0x9  }
0x1ec: {  	s0 =	sshra.s32 @!p3 s0, $0x2  }
0x1ed: {  	s2 =	simm.s32 @!p3 $0x80;
	s0 =	sadd.s32 @!p3 $0xF238, s0  }
0x1ee: {  	[spmem:s2] =	stream.linear.scatter @!p3 [tilespmem:s0], [sflag:$0x1], $0x80, $0x38;
	[tilespmem:$0x1F6F8] =	vst v63  }
0x1ef: {  	s0 =	simm.s32 @!p3 $0x1  }
0x1f0: {  	_ =	swait.ge @!p3 [sflag:s0], $0x100  }
0x1f1: {  	p1 =	por p2, p1;
	[sflag:s0] =	ssyncset.done @!p3 $0x0  }
0x1f2: {  	[sflag:s0] =	ssyncadd.s32 @!p3 $0xFFFFFF00;
	s0 =	simm.s32 @!p1 $0x1  }
0x1f3: {  	_ =	swait.ge @!p1 [sflag:s0], $0x80  }
0x1f4: {  	s29 =	simm.s32 $0x10238;
	[sflag:s0] =	ssyncset.done @!p1 $0x0  }
0x1f5: {  	s30 =	simm.s32 $0x1000;
	s31 =	simm.s32 $0x1;
	[sflag:s0] =	ssyncadd.s32 @!p1 $0xFFFFFF80  }
0x1f6: {  	[spmem:s30] =	stream.linear.scatter [tilespmem:s29], [sflag:$0x1], $0x10, $0x38;
	[tilespmem:$0x1F6F8] =	vst v63  }
0x1f7: {  	_ =	swait.ge [sflag:s31], $0x10  }
0x1f8: {  	[sflag:s31] =	ssyncset.done $0x0  }
0x1f9: {  	p1 =	seq.s32 s15, $0x0;
	s8 =	rddreg [dreg:$0x2];
	[sflag:s31] =	ssyncadd.s32 $0xFFFFFFF0  }
0x1fa: {  	s2 =	sshll.u32 @p1 s8, $0xE;
	s7 =	rddreg [dreg:$0x3]  }
0x1fb: {  	s0 =	sadd.s32 @p1 $0x15C3C, s2;
	s2 =	sshll.u32 @p1 s7, $0x11  }
0x1fc: {  	_ =	sfence.stream.spmem;
	s0 =	sor.u32 @p1 s2, s0  }
0x1fd: {  	[sflag:s0] =	ssyncadd.remote.s32 @p1 $0x1;
	s0 =	simm.s32 @p1 $0x4  }
0x1fe: {  	s3 =	simm.s32 @!p1 $0x3C;
	s2 =	sand.u32 $0xFFFFFFFE, s8;
	_ =	swait.ge @p1 [sflag:s0], $0x22  }
0x1ff: {  	s4 =	simm.s32 @!p1 $0x0;
	s2 =	sadd.s32 @!p1 $0x4, s2;
	[sflag:s0] =	ssyncset.done @p1 $0x0  }
0x200: {  	s5 =	simm.s32 @!p1 $0x100;
	[sflag:s0] =	ssyncadd.s32 @p1 $0xFFFFFFDE;
	s0 =	sshll.u32 @!p1 s2, $0x1A  }
0x201: {  	s2 =	sshll.u32 @!p1 s2, $0xD;
	s0 =	sor.u32 @!p1 s0, s7;
	_ =	swait.eq @!p1 [sflag:s3], $0x1  }
0x202: {  	s2 =	sor.u32 @!p1 $0x1C04, s2;
	s3 =	simm.s32 @!p1 $0x1C03;
	s0 =	sor.u32 @!p1 $0x80004000, s0  }
0x203: {  	[spmem:s5], [sflag:s2] =	dma.general @!p1 [spmem:s4], [sflag:s3], length:$0x20, [dreg:$0x0], stride_count:$0x0, ici_dest:s0, dma_misc:DstOpCode:WRITE  }
0x204: {  	p2 =	slt.s32 s9, $0x2;
	s4 =	simm.s32 @!p1 $0x200;
	s5 =	simm.s32 @!p1 $0x202  }
0x205: {  	[spmem:s5], [sflag:s2] =	dma.general @!p1 [spmem:s4], [sflag:s3], length:$0x2, [dreg:$0x0], stride_count:$0x0, ici_dest:s0, dma_misc:DstOpCode:WRITE  }
.Ltmp27:
0x206: {  	s0 =	simm.s32 @!p1 $0x3;
	(pc) =	sbr.rel @p2 .LBB2_38-.Ltmp27, $4  }
0x207: {  	s2 =	sshll.u32 @!p1 s8, $0xE;
	_ =	swait.ge @!p1 [sflag:s0], $0x22  }
0x208: {  	s3 =	sshll.u32 @!p1 s7, $0x11;
	s2 =	sadd.s32 @!p1 $0x11C3C, s2;
	[sflag:s0] =	ssyncset.done @!p1 $0x0  }
0x209: {  	[sflag:s0] =	ssyncadd.s32 @!p1 $0xFFFFFFDE;
	s0 =	sor.u32 @!p1 s3, s2  }
0x20a: {  	[sflag:s0] =	ssyncadd.remote.s32 @!p1 $0xFFFFFFFF;
	s0 =	simm.s32 $0x0  }
0x20b: {  	s0 =	simm.s32 $0xF219  }
0x20c: {  	v0 =	vld.msk [tilespmem:s0+$0x0], $0x1;
	_ =	sdelay $0x4  }
0x20d: {  	(v2sf) =	vpush v0, $0x0;
	_ =	sdelay $0xb  }
0x20e: {  	s31 =	sadd.s32 $0xFFFFFFFE, s6  }
0x20f: {  	s0 =	sadd.s32 $0xFFFFFFFF, s31  }
0x210: {  	p2 =	sne.s32 s0, $0x0  }
.Ltmp28:
0x211: {  	s2 =	spop (v2sf);
	(pc) =	sbr.rel @!p2 .LBB2_37-.Ltmp28, $4  }
0x212: {  	s4 =	simm.s32 $0xF2B8;
	s7 =	simm.s32 $0x0;
	p1 =	sgt.u32 s2, $0x107FF0  }
0x213: {  	s5 =	simm.s32 $0x0;
	s6 =	simm.s32 $0xF21A;
	s3 =	sand.u32 @!p1 $0x1FFFF8, s2  }
0x214: {  	s2 =	sand.u32 @!p1 $0x7, s2;
	s7 =	simm.s32 @!p1 $0x200;
	s3 =	sadd.s32 @!p1 s1, s3  }
0x215: {  	[hbm4b:s3+s2] =	stream.linear.scatter @!p1 [tilespmem:s4], [sflag:$0x5], $0x80, $0x38;
	[tilespmem:$0x1F6F8] =	vst v63  }
.LBB2_36:
0x216: {  	v0 =	vld.msk [tilespmem:s6+$0x0], $0x1;
	s0 =	sadd.s32 $0xFFFFFFFF, s0;
	s5 =	sadd.s32 s5, s7  }
0x217: {  	p1 =	sne.s32 s0, $0x0;
	_ =	sdelay $0x3  }
0x218: {  	(v2sf) =	vpush v0, $0x0;
	_ =	sdelay $0xe  }
.Ltmp29:
0x219: {  	s2 =	spop (v2sf);
	(pc) =	sbr.rel @p1 .LBB2_36-.Ltmp29, $4  }
0x21a: {  	s7 =	simm.s32 $0x0;
	p2 =	sgt.u32 s2, $0x107FF0  }
0x21b: {  	s4 =	sadd.s32 $0x80, s4;
	s7 =	simm.s32 @!p2 $0x200;
	s3 =	sand.u32 @!p2 $0x1FFFF8, s2  }
0x21c: {  	s6 =	sadd.s32 $0x1, s6;
	s2 =	sand.u32 @!p2 $0x7, s2;
	s3 =	sadd.s32 @!p2 s1, s3  }
0x21d: {  	[hbm4b:s3+s2] =	stream.linear.scatter @!p2 [tilespmem:s4], [sflag:$0x5], $0x80, $0x38;
	[tilespmem:$0x1F6F8] =	vst v63  }
.LBB2_37:
0x21e: {  	s0 =	sadd.s32 s5, s7  }
0x21f: {  	s0 =	sshrl.u32 s0, $0x2  }
.LBB2_38:
0x220: {  	s2 =	simm.s32 $0x5  }
0x221: {  	_ =	swait.ge [sflag:s2], s0  }
0x222: {  	s31 =	ssub.s32 $0x0, s0;
	[sflag:s2] =	ssyncset.done $0x0  }
0x223: {  	[sflag:s2] =	ssyncadd.s32 s31  }
0x224: {  	[sflag:s2] =	ssyncpa.u1 $0x1  }
.LBB2_39:
0x225: {  	s0 =	sor.u32 s15, s16  }
0x226: {  	p1 =	sne.s32 s0, $0x0  }
.Ltmp30:
0x227: {  	_ = 	snop;
	(pc) =	sbr.rel @p1 .LBB2_54-.Ltmp30, $3  }
0x228: {  	_ =	sdelay $0x1  }
0x229: {  	[bflag:$0x0] =	sbarrier.arrive $0xFFFF  }
0x22a: {  	_ =	sfence  }
0x22b: {  	s0 =	simm.s32 $0x7  }
0x22c: {  	s2 =	simm.s32 $0x1000;
	s3 =	simm.s32 $0xF218;
	[sflag:s0] =	ssyncpa.u1 $0x0  }
0x22d: {  	[tilespmem:s3], [sflag:$0x7] =	stream.linear.gather [spmem:s2], $0x20, $0x38;
	[tilespmem:$0x1F6F8] =	vst v63  }
0x22e: {  	s30 =	simm.s32 $0xF238;
	s2 =	simm.s32 $0x0  }
0x22f: {  	[tilespmem:s30], [sflag:$0x7] =	stream.linear.gather [spmem:s2], $0x1000, $0x38;
	[tilespmem:$0x1F6F8] =	vst v63  }
.Ltmp31:
0x230: {  	_ = 	snop;
	(pc) =	sbr.rel .LBB2_41-.Ltmp31, $4  }
0x231: {  	_ =	swait.ge [sflag:s0], $0x1020  }
0x232: {  	[sflag:s0] =	ssyncset.done $0x0  }
0x233: {  	s31 =	simm.s32 $0x8;
	[sflag:s0] =	ssyncadd.s32 $0xFFFFEFE0  }
0x234: {  	s3 =	simm.s32 $0x0;
	[sflag:s31] =	ssyncpa.u1 $0x0  }
.LBB2_47:
0x235: {  	p1 =	slt.u32 s4, $0x107FF1  }
0x236: {  	s0 =	sand.u32 @p1 $0x1FFFF8, s4  }
0x237: {  	s4 =	sand.u32 @p1 $0x7, s4;
	s5 =	simm.s32 @p1 $0xF188;
	s0 =	sadd.s32 @p1 s1, s0  }
0x238: {  	[tilespmem:s5], [sflag:$0x8] =	stream.linear.gather @p1 [hbm4b:s0+s4], $0x80, $0x38;
	[tilespmem:$0x1F6F8] =	vst v63  }
0x239: {  	s0 =	simm.s32 @p1 $0x8  }
0x23a: {  	_ =	swait.ge @p1 [sflag:s0], $0x80  }
0x23b: {  	[sflag:s0] =	ssyncset.done @p1 $0x0  }
0x23c: {  	[sflag:s0] =	ssyncadd.s32 @p1 $0xFFFFFF80;
	s0 =	sshll.u32 @p1 s3, $0x9  }
0x23d: {  	s4 =	sshrl.u32 @p1 s0, $0x2;
	v1 =	vld @p1 [tilespmem:$0xF188]  }
0x23e: {  	v2 =	vld @p1 [tilespmem:s4+$0xF238];
	_ =	sdelay $0x4  }
0x23f: {  	v1 =	vmax.f32 @p1 v1, v2  }
0x240: {  	v2 =	vld @p1 [tilespmem:s4+$0xF248];
	[tilespmem:s4+$0xF238] =	vst @p1 v1  }
0x241: {  	v1 =	vld @p1 [tilespmem:$0xF198];
	_ =	sdelay $0x4  }
0x242: {  	v1 =	vmax.f32 @p1 v1, v2  }
0x243: {  	v2 =	vld @p1 [tilespmem:s4+$0xF258];
	[tilespmem:s4+$0xF248] =	vst @p1 v1  }
0x244: {  	v1 =	vld @p1 [tilespmem:$0xF1A8];
	_ =	sdelay $0x4  }
0x245: {  	v1 =	vmax.f32 @p1 v1, v2  }
0x246: {  	v2 =	vld @p1 [tilespmem:s4+$0xF268];
	[tilespmem:s4+$0xF258] =	vst @p1 v1  }
0x247: {  	v1 =	vld @p1 [tilespmem:$0xF1B8];
	_ =	sdelay $0x4  }
0x248: {  	v1 =	vmax.f32 @p1 v1, v2  }
0x249: {  	v2 =	vld @p1 [tilespmem:s4+$0xF278];
	[tilespmem:s4+$0xF268] =	vst @p1 v1  }
0x24a: {  	v1 =	vld @p1 [tilespmem:$0xF1C8];
	_ =	sdelay $0x4  }
0x24b: {  	v1 =	vmax.f32 @p1 v1, v2  }
0x24c: {  	v2 =	vld @p1 [tilespmem:s4+$0xF288];
	[tilespmem:s4+$0xF278] =	vst @p1 v1  }
0x24d: {  	v1 =	vld @p1 [tilespmem:$0xF1D8];
	_ =	sdelay $0x4  }
0x24e: {  	v1 =	vmax.f32 @p1 v1, v2  }
0x24f: {  	v2 =	vld @p1 [tilespmem:s4+$0xF298];
	[tilespmem:s4+$0xF288] =	vst @p1 v1  }
0x250: {  	v1 =	vld @p1 [tilespmem:$0xF1E8];
	_ =	sdelay $0x4  }
0x251: {  	v1 =	vmax.f32 @p1 v1, v2  }
0x252: {  	v2 =	vld @p1 [tilespmem:s4+$0xF2A8];
	[tilespmem:s4+$0xF298] =	vst @p1 v1  }
0x253: {  	v1 =	vld @p1 [tilespmem:$0xF1F8];
	_ =	sdelay $0x4  }
0x254: {  	s5 =	sshll.u32 @!p1 s3, $0x9;
	v1 =	vmax.f32 @p1 v1, v2  }
0x255: {  	s5 =	smov.u32 @p1 s0;
	[tilespmem:s4+$0xF2A8] =	vst @p1 v1  }
0x256: {  	s0 =	sshrl.u32 s5, $0x2;
	[tilespmem:s2+$0xF218] =	vst.msk $0x1, v0  }
0x257: {  	v0 =	vld [tilespmem:s0+$0xF238];
	_ =	sdelay $0x2  }
0x258: {  	s31 =	sshll.u32 s2, $0x9  }
0x259: {  	s4 =	sshra.s32 s31, $0x2  }
0x25a: {  	[tilespmem:s4+$0xF238] =	vst v0  }
0x25b: {  	v0 =	vld [tilespmem:s0+$0xF248];
	_ =	sdelay $0x4  }
0x25c: {  	[tilespmem:s4+$0xF248] =	vst v0  }
0x25d: {  	v0 =	vld [tilespmem:s0+$0xF258];
	_ =	sdelay $0x4  }
0x25e: {  	[tilespmem:s4+$0xF258] =	vst v0  }
0x25f: {  	v0 =	vld [tilespmem:s0+$0xF268];
	_ =	sdelay $0x4  }
0x260: {  	[tilespmem:s4+$0xF268] =	vst v0  }
0x261: {  	v0 =	vld [tilespmem:s0+$0xF278];
	_ =	sdelay $0x4  }
0x262: {  	[tilespmem:s4+$0xF278] =	vst v0  }
0x263: {  	v0 =	vld [tilespmem:s0+$0xF288];
	_ =	sdelay $0x4  }
0x264: {  	[tilespmem:s4+$0xF288] =	vst v0  }
0x265: {  	v0 =	vld [tilespmem:s0+$0xF298];
	_ =	sdelay $0x4  }
0x266: {  	[tilespmem:s4+$0xF298] =	vst v0  }
0x267: {  	v0 =	vld [tilespmem:s0+$0xF2A8];
	_ =	sdelay $0x4  }
0x268: {  	s2 =	sadd.s32 $0x1, s2;
	[tilespmem:s4+$0xF2A8] =	vst v0  }
.LBB2_48:
0x269: {  	s3 =	sadd.s32 $0x1, s3  }
0x26a: {  	p1 =	sne.s32 s3, $0x20  }
.Ltmp32:
0x26b: {  	_ = 	snop;
	(pc) =	sbr.rel @!p1 .LBB2_49-.Ltmp32, $1  }
0x26c: {  	_ =	sdelay $0x3  }
.LBB2_41:
0x26d: {  	v0 =	vld.msk [tilespmem:s3+$0xF218], $0x1;
	_ =	sdelay $0x4  }
0x26e: {  	(v2sf) =	vpush v0, $0x0;
	_ =	sdelay $0xe  }
0x26f: {  	s4 =	spop (v2sf)  }
0x270: {  	p1 =	seq.s32 s4, $0xFFFFFFFF  }
.Ltmp33:
0x271: {  	_ = 	snop;
	(pc) =	sbr.rel @p1 .LBB2_48-.Ltmp33, $1  }
0x272: {  	_ =	sdelay $0x3  }
0x273: {  	p1 =	slt.s32 s2, $0x1  }
.Ltmp34:
0x274: {  	_ = 	snop;
	(pc) =	sbr.rel @p1 .LBB2_47-.Ltmp34, $1  }
0x275: {  	_ =	sdelay $0x3  }
0x276: {  	s5 =	simm.s32 $0xF218;
	p1 =	por $0x0, $0x0  }
0x277: {  	v1 =	vld.msk @!p1 [tilespmem:s5+$0x0], $0x1;
	_ =	sdelay $0x4  }
0x278: {  	(v2sf) =	vpush @!p1 v1, $0x0;
	_ =	sdelay $0xd  }
0x279: {  	p3 =	sne.s32 s2, $0x1  }
.Ltmp35:
0x27a: {  	s0 =	spop @!p1 (v2sf);
	(pc) =	sbr.rel @!p3 .LBB2_45-.Ltmp35, $4  }
0x27b: {  	p2 =	seq.s32 @!p1 s4, s0  }
0x27c: {  	s6 =	simm.s32 $0x0;
	p2 =	por !p2, p1  }
0x27d: {  	s7 =	simm.s32 $0xFFFFFFFF;
	s6 =	simm.s32 @p2 $0xFFFFFFFF  }
0x27e: {  	s0 =	simm.s32 $0x1;
	s6 =	smov.u32 @p1 s7  }
.LBB2_44:
0x27f: {  	s7 =	smov.u32 s6;
	p1 =	sne.s32 s6, $0xFFFFFFFF  }
0x280: {  	s5 =	sadd.s32 $0x1, s5;
	s6 =	smov.u32 s0;
	s0 =	sadd.s32 $0x1, s0  }
0x281: {  	p2 =	sne.s32 s2, s0;
	v1 =	vld.msk @!p1 [tilespmem:s5+$0x0], $0x1;
	_ =	sdelay $0x4  }
0x282: {  	(v2sf) =	vpush @!p1 v1, $0x0;
	_ =	sdelay $0xe  }
.Ltmp36:
0x283: {  	s8 =	spop @!p1 (v2sf);
	(pc) =	sbr.rel @p2 .LBB2_44-.Ltmp36, $4  }
0x284: {  	p3 =	seq.s32 @!p1 s4, s8  }
0x285: {  	p3 =	por !p3, p1  }
0x286: {  	s6 =	simm.s32 @p3 $0xFFFFFFFF  }
0x287: {  	s6 =	smov.u32 @p1 s7  }
.LBB2_45:
0x288: {  	p1 =	seq.s32 s6, $0xFFFFFFFF  }
.Ltmp37:
0x289: {  	_ = 	snop;
	(pc) =	sbr.rel @p1 .LBB2_47-.Ltmp37, $1  }
0x28a: {  	_ =	sdelay $0x3  }
0x28b: {  	s0 =	sshll.u32 s3, $0x7  }
0x28c: {  	s4 =	sshll.u32 s6, $0x9;
	s0 =	sand.u32 $0x3FFFFF80, s0  }
0x28d: {  	s4 =	sshra.s32 s4, $0x2;
	v0 =	vld [tilespmem:s0+$0xF238]  }
0x28e: {  	v1 =	vld [tilespmem:s4+$0xF238];
	_ =	sdelay $0x4  }
0x28f: {  	v0 =	vmax.f32 v0, v1  }
0x290: {  	v57 =	vld [tilespmem:s4+$0xF248];
	[tilespmem:s4+$0xF238] =	vst v0  }
0x291: {  	v0 =	vld [tilespmem:s0+$0xF248];
	_ =	sdelay $0x4  }
0x292: {  	v0 =	vmax.f32 v0, v57  }
0x293: {  	v58 =	vld [tilespmem:s4+$0xF258];
	[tilespmem:s4+$0xF248] =	vst v0  }
0x294: {  	v0 =	vld [tilespmem:s0+$0xF258];
	_ =	sdelay $0x4  }
0x295: {  	v0 =	vmax.f32 v0, v58  }
0x296: {  	v59 =	vld [tilespmem:s4+$0xF268];
	[tilespmem:s4+$0xF258] =	vst v0  }
0x297: {  	v0 =	vld [tilespmem:s0+$0xF268];
	_ =	sdelay $0x4  }
0x298: {  	v0 =	vmax.f32 v0, v59  }
0x299: {  	v60 =	vld [tilespmem:s4+$0xF278];
	[tilespmem:s4+$0xF268] =	vst v0  }
0x29a: {  	v0 =	vld [tilespmem:s0+$0xF278];
	_ =	sdelay $0x4  }
0x29b: {  	v0 =	vmax.f32 v0, v60  }
0x29c: {  	v61 =	vld [tilespmem:s4+$0xF288];
	[tilespmem:s4+$0xF278] =	vst v0  }
0x29d: {  	v0 =	vld [tilespmem:s0+$0xF288];
	_ =	sdelay $0x4  }
0x29e: {  	v0 =	vmax.f32 v0, v61  }
0x29f: {  	v62 =	vld [tilespmem:s4+$0xF298];
	[tilespmem:s4+$0xF288] =	vst v0  }
0x2a0: {  	v0 =	vld [tilespmem:s0+$0xF298];
	_ =	sdelay $0x4  }
0x2a1: {  	v0 =	vmax.f32 v0, v62  }
0x2a2: {  	v63 =	vld [tilespmem:s4+$0xF2A8];
	[tilespmem:s4+$0xF298] =	vst v0  }
0x2a3: {  	v0 =	vld [tilespmem:s0+$0xF2A8];
	_ =	sdelay $0x1  }
.Ltmp38:
0x2a4: {  	_ = 	snop;
	(pc) =	sbr.rel .LBB2_48-.Ltmp38, $3  }
0x2a5: {  	_ =	sdelay $0x1  }
0x2a6: {  	v0 =	vmax.f32 v0, v63  }
0x2a7: {  	[tilespmem:s4+$0xF2A8] =	vst v0  }
.LBB2_49:
0x2a8: {  	p1 =	slt.s32 s2, $0x1  }
.Ltmp39:
0x2a9: {  	_ = 	snop;
	(pc) =	sbr.rel @p1 .LBB2_53-.Ltmp39, $3  }
0x2aa: {  	_ =	sdelay $0x1  }
0x2ab: {  	s0 =	simm.s32 $0x8  }
0x2ac: {  	s3 =	simm.s32 $0x0;
	[sflag:s0] =	ssyncpa.u1 $0x1  }
0x2ad: {  	s0 =	simm.s32 $0xF218  }
0x2ae: {  	v0 =	vld.msk [tilespmem:s0+$0x0], $0x1;
	_ =	sdelay $0x4  }
0x2af: {  	(v2sf) =	vpush v0, $0x0;
	_ =	sdelay $0xe  }
0x2b0: {  	s0 =	sadd.s32 $0xFFFFFFFF, s2;
	s5 =	spop (v2sf)  }
0x2b1: {  	p2 =	sne.s32 s0, $0x0;
	p1 =	sgt.u32 s5, $0x107FF0  }
.Ltmp40:
0x2b2: {  	s6 =	sand.u32 @!p1 $0x1FFFF8, s5;
	(pc) =	sbr.rel @!p2 .LBB2_52-.Ltmp40, $4  }
0x2b3: {  	s4 =	simm.s32 $0xF238;
	s5 =	sand.u32 @!p1 $0x7, s5;
	s2 =	sadd.s32 @!p1 s1, s6  }
0x2b4: {  	[hbm4b:s2+s5] =	stream.linear.scatter @!p1 [tilespmem:s4], [sflag:$0x7], $0x80, $0x38;
	[tilespmem:$0x1F6F8] =	vst v63  }
0x2b5: {  	s5 =	simm.s32 $0x0  }
0x2b6: {  	s2 =	simm.s32 $0xF219;
	s5 =	simm.s32 @!p1 $0x200  }
.LBB2_51:
0x2b7: {  	v0 =	vld.msk [tilespmem:s2+$0x0], $0x1;
	s0 =	sadd.s32 $0xFFFFFFFF, s0;
	s3 =	sadd.s32 s3, s5  }
0x2b8: {  	p1 =	sne.s32 s0, $0x0;
	_ =	sdelay $0x3  }
0x2b9: {  	(v2sf) =	vpush v0, $0x0;
	_ =	sdelay $0xe  }
.Ltmp41:
0x2ba: {  	s6 =	spop (v2sf);
	(pc) =	sbr.rel @p1 .LBB2_51-.Ltmp41, $4  }
0x2bb: {  	s5 =	simm.s32 $0x0;
	p2 =	sgt.u32 s6, $0x107FF0  }
0x2bc: {  	s4 =	sadd.s32 $0x80, s4;
	s5 =	simm.s32 @!p2 $0x200;
	s7 =	sand.u32 @!p2 $0x1FFFF8, s6  }
0x2bd: {  	s2 =	sadd.s32 $0x1, s2;
	s6 =	sand.u32 @!p2 $0x7, s6;
	s7 =	sadd.s32 @!p2 s1, s7  }
0x2be: {  	[hbm4b:s7+s6] =	stream.linear.scatter @!p2 [tilespmem:s4], [sflag:$0x7], $0x80, $0x38;
	[tilespmem:$0x1F6F8] =	vst v63  }
.LBB2_52:
0x2bf: {  	s0 =	sadd.s32 s3, s5  }
0x2c0: {  	s3 =	sshrl.u32 s0, $0x2  }
.LBB2_53:
0x2c1: {  	s0 =	simm.s32 $0x7  }
0x2c2: {  	_ =	swait.ge [sflag:s0], s3  }
0x2c3: {  	s1 =	ssub.s32 $0x0, s3;
	[sflag:s0] =	ssyncset.done $0x0  }
0x2c4: {  	[sflag:s0] =	ssyncadd.s32 s1  }
0x2c5: {  	[sflag:s0] =	ssyncpa.u1 $0x1  }
.LBB2_54:
0x2c6: {  	_ =	sfence;
	s0 =	simm.s32 $0x1  }
0x2c7: {  	[sflag:s0] =	ssyncpa.u1 $0x1  }
0x2c8: {  	_ =	strace $0x90000047  }
0x2c9: {  	[bflag:$0x2] =	sbarrier.arrive $0xFFFF  }
0x2ca: {  	s0 =	rddreg [dreg:$0x4]  }
0x2cb: {  	s0 =	sadd.s32 @!p0 $0x100000, s0  }
0x2cc: {  	[sflag:s0] =	ssyncadd.tile.s32 @!p0 $0x1;
	_ =	shalt  }
.Lfunc_end2:
_tile_overlayer_lowered:
.L_overlay_start_2:
0x2cd: {  	(tag) =	ssettag $0x2  }
0x2ce: {  	s0 =	rddreg [dreg:$0x0];
	s2 =	stileid.u32  }
0x2cf: {  	s1 =	rddreg [dreg:$0x1];
	p0 =	sne.s32 s2, $0x0  }
0x2d0: {  	s3 =	rddreg [dreg:$0x2];
	[bflag:$0x3] =	sbarrier.arrive $0xFFFF;
	s2 =	simm.s32 @!p0 $0x1C01  }
0x2d1: {  	[timem:s3], [sflag:s2] =	dma.local @!p0 [hbm:s0], s1  }
0x2d2: {  	s0 =	simm.s32 @!p0 $0x1  }
0x2d3: {  	_ =	swait.ge @!p0 [sflag:s0], s1  }
0x2d4: {  	s1 =	ssub.s32 @!p0 $0x0, s1;
	[sflag:s0] =	ssyncset.done @!p0 $0x0  }
0x2d5: {  	[sflag:s0] =	ssyncadd.s32 @!p0 s1  }
0x2d6: {  	[bflag:$0x3] =	sbarrier.arrive $0xFFFF  }
0x2d7: {  	_ =	shalt  }

</sc_bundles>
